<compile_context>
chip_gen: v7x
topology: tpu7x:2x2x1
jax: 0.10.2.dev20260603
libtpu: 0.0.44.dev20260713+nightly
codegen_flags: <defaults>
</compile_context>

<pallas_src>
import jax
import jax.numpy as jnp
from jax import lax
from jax._src.pallas import mpmd
from jax.experimental import pallas as pl
from jax.experimental.pallas import tpu as pltpu
from jax.experimental.pallas import tpu_sc as plsc

BLOCK = 8192
EMBED = 1024

_info = plsc.get_sparse_core_info()
_NC, _NS = _info.num_cores, _info.num_subcores
_NW = _NC * _NS

_SCS_ROWS = 1024
_TEC_ROWS = BLOCK - _NC * _SCS_ROWS
_ROWS_PER_W = _TEC_ROWS // _NW
_CHUNK = 16
_NSTEPS = _ROWS_PER_W // _CHUNK
_NBUF = 6
_AHEAD = 4

_SCS_CHUNK = 64
_SCS_STEPS = _SCS_ROWS // _SCS_CHUNK


def _tec_fn(pe_hbm, out_hbm, spmem):
    del spmem

    def body(*rest):
        bufs = rest[:_NBUF]
        sem_in, sem_out = rest[_NBUF], rest[_NBUF + 1]
        wid = lax.axis_index("s") * _NC + lax.axis_index("c")
        base = wid * _ROWS_PER_W

        def start_in(i):
            return pltpu.async_copy(
                pe_hbm.at[pl.ds(base + i * _CHUNK, _CHUNK)],
                bufs[i % _NBUF], sem_in)

        def start_out(i):
            return pltpu.async_copy(
                bufs[i % _NBUF],
                out_hbm.at[pl.ds(base + i * _CHUNK, _CHUNK)], sem_out)

        copies_in = [None] * _NSTEPS
        copies_out = [None] * _NSTEPS
        out_waited = [False] * _NSTEPS
        for i in range(_AHEAD):
            copies_in[i] = start_in(i)
        for i in range(_NSTEPS):
            copies_in[i].wait()
            copies_out[i] = start_out(i)
            j = i + _AHEAD
            if j < _NSTEPS:
                prev = j - _NBUF
                if prev >= 0:
                    copies_out[prev].wait()
                    out_waited[prev] = True
                copies_in[j] = start_in(j)
        for i in range(_NSTEPS):
            if not out_waited[i]:
                copies_out[i].wait()

    pl.run_scoped(
        body,
        *([pltpu.VMEM((_CHUNK, EMBED), jnp.float32)] * _NBUF),
        pltpu.SemaphoreType.DMA,
        pltpu.SemaphoreType.DMA,
    )


def _scs_fn(pe_hbm, out_hbm, spmem):
    def body(sem_in, sem_out):
        c = lax.axis_index("c")
        base = _TEC_ROWS + c * _SCS_ROWS

        def start_in(i):
            return pltpu.async_copy(
                pe_hbm.at[pl.ds(base + i * _SCS_CHUNK, _SCS_CHUNK)],
                spmem.at[i % 4], sem_in)

        def start_out(i):
            return pltpu.async_copy(
                spmem.at[i % 4],
                out_hbm.at[pl.ds(base + i * _SCS_CHUNK, _SCS_CHUNK)], sem_out)

        copies_in = [None] * _SCS_STEPS
        copies_out = [None] * _SCS_STEPS
        out_waited = [False] * _SCS_STEPS
        copies_in[0] = start_in(0)
        copies_in[1] = start_in(1)
        for i in range(_SCS_STEPS):
            copies_in[i].wait()
            copies_out[i] = start_out(i)
            j = i + 2
            if j < _SCS_STEPS:
                prev = j - 4
                if prev >= 0:
                    copies_out[prev].wait()
                    out_waited[prev] = True
                copies_in[j] = start_in(j)
        for i in range(_SCS_STEPS):
            if not out_waited[i]:
                copies_out[i].wait()

    pl.run_scoped(body, pltpu.SemaphoreType.DMA, pltpu.SemaphoreType.DMA)


def _sc_copy(pe):
    vec_mesh = plsc.VectorSubcoreMesh(core_axis_name="c", subcore_axis_name="s")
    scs_mesh = plsc.ScalarSubcoreMesh(axis_name="c")
    return mpmd.mpmd_map(
        [(scs_mesh, _scs_fn), (vec_mesh, _tec_fn)],
        out_types=[jax.ShapeDtypeStruct((BLOCK, EMBED), jnp.float32)],
        scratch_types=[
            pltpu.VMEM_SHARED((4, _SCS_CHUNK, EMBED), jnp.float32),
        ],
    )(pe)[0]


def kernel(x, pe):
    return _sc_copy(pe)

# --- scband reference (transcript-rebuilt; emitter-appended) ---
"""Pipeline reference for scband-positional-embedding-39135742001622 (READ-ONLY COPY).

The authoritative reference and input builder live on the scoring server;
editing this copy changes nothing except your own understanding.
"""

import jax, jax.numpy as jnp
import numpy as np

BLOCK_SIZE = 8192
EMBED_SIZE = 1024

def setup_inputs(seed: int = 0) -> dict:
    key = jax.random.key(seed)
    k1, k2 = jax.random.split(key)
    x = jax.random.randint(k1, (4, BLOCK_SIZE), 0, BLOCK_SIZE, dtype=jnp.int64) if jax.config.jax_enable_x64 else jax.random.randint(k1, (4, BLOCK_SIZE), 0, BLOCK_SIZE, dtype=jnp.int32)
    pe = jax.random.normal(k2, (BLOCK_SIZE, EMBED_SIZE), dtype=jnp.float32)
    return {"x": x, "pe": pe}

def reference(x, pe):
    # Faithful to PositionalEmbedding.forward: ignores x values, gathers the
    # full positional table via arange indices (an embedding lookup).
    idx = jnp.arange(BLOCK_SIZE)
    return jnp.take(pe, idx, axis=0)

if __name__ == "__main__":
    import jax
    _d = setup_inputs()
    print(jax.jit(kernel)(*tuple(_d.values())))

</pallas_src>

<mosaic_0001>
#map = affine_map<(d0) -> (0, 0)>
#map1 = affine_map<(d0, d1) -> (0, 0)>
module attributes {stable_mosaic.version = 14 : i64} {
  func.func @_scs_fn(%arg0: i32, %arg1: memref<8192x1024xf32, #tpu.memory_space<hbm>>, %arg2: memref<8192x1024xf32, #tpu.memory_space<hbm>>, %arg3: memref<4x64x1024xf32, #tpu.memory_space<vmem_shared>>) attributes {dimension_semantics = [#tpu.dimension_semantics<core_parallel>], iteration_bounds = array<i64: 2>, scalar_prefetch = 0 : i64, scratch_operands = 1 : i64, tpu.core_type = #tpu.core_type<sc_scalar_subcore>, window_params = [{transform_indices = #map}, {transform_indices = #map}]} {
    "tpu.region"() ({
      %run_scoped3A = tpu.sem_alloc : memref<!tpu.dma_semaphore, #tpu.memory_space<semaphore_mem>>
      %run_scoped3A_0 = tpu.sem_alloc : memref<!tpu.dma_semaphore, #tpu.memory_space<semaphore_mem>>
      %mul3A = arith.constant 1024 : i32
      %mul3A_1 = arith.muli %arg0, %mul3A : i32
      %add3A = arith.constant 6144 : i32
      %add3A_2 = arith.addi %add3A, %mul3A_1 : i32
      %add3A_3 = arith.constant 0 : i32
      %add3A_4 = arith.addi %add3A_2, %add3A_3 : i32
      %dma_start3A = arith.constant 0 : i32
      %dma_start3A_5 = arith.constant 0 : i32
      %dma_start3A_6 = arith.constant 0 : i32
      %dma_start3A_7 = tpu.memref_slice %arg3[%dma_start3A, %dma_start3A_5, %dma_start3A_6] : memref<4x64x1024xf32, #tpu.memory_space<vmem_shared>> -> memref<1x64x1024xf32, #tpu.memory_space<vmem_shared>>
      %dma_start3A_8 = tpu.memref_squeeze %dma_start3A_7 : memref<1x64x1024xf32, #tpu.memory_space<vmem_shared>> -> memref<64x1024xf32, #tpu.memory_space<vmem_shared>>
      %dma_start3A_9 = arith.constant 0 : i32
      %dma_start3A_10 = tpu.memref_slice %arg1[%add3A_4, %dma_start3A_9] : memref<8192x1024xf32, #tpu.memory_space<hbm>> -> memref<64x1024xf32, #tpu.memory_space<hbm>>
      tpu.enqueue_dma source(%dma_start3A_10 : memref<64x1024xf32, #tpu.memory_space<hbm>>) target(%dma_start3A_8 : memref<64x1024xf32, #tpu.memory_space<vmem_shared>>) target_semaphore(%run_scoped3A : memref<!tpu.dma_semaphore, #tpu.memory_space<semaphore_mem>>)
      %add3A_11 = arith.constant 64 : i32
      %add3A_12 = arith.addi %add3A_2, %add3A_11 : i32
      %dma_start3A_13 = arith.constant 1 : i32
      %dma_start3A_14 = arith.constant 0 : i32
      %dma_start3A_15 = arith.constant 0 : i32
      %dma_start3A_16 = tpu.memref_slice %arg3[%dma_start3A_13, %dma_start3A_14, %dma_start3A_15] : memref<4x64x1024xf32, #tpu.memory_space<vmem_shared>> -> memref<1x64x1024xf32, #tpu.memory_space<vmem_shared>>
      %dma_start3A_17 = tpu.memref_squeeze %dma_start3A_16 : memref<1x64x1024xf32, #tpu.memory_space<vmem_shared>> -> memref<64x1024xf32, #tpu.memory_space<vmem_shared>>
      %dma_start3A_18 = arith.constant 0 : i32
      %dma_start3A_19 = tpu.memref_slice %arg1[%add3A_12, %dma_start3A_18] : memref<8192x1024xf32, #tpu.memory_space<hbm>> -> memref<64x1024xf32, #tpu.memory_space<hbm>>
      tpu.enqueue_dma source(%dma_start3A_19 : memref<64x1024xf32, #tpu.memory_space<hbm>>) target(%dma_start3A_17 : memref<64x1024xf32, #tpu.memory_space<vmem_shared>>) target_semaphore(%run_scoped3A : memref<!tpu.dma_semaphore, #tpu.memory_space<semaphore_mem>>)
      %dma_wait3A = arith.constant 0 : i32
      %dma_wait3A_20 = arith.constant 0 : i32
      %dma_wait3A_21 = arith.constant 0 : i32
      %dma_wait3A_22 = tpu.memref_slice %arg3[%dma_wait3A, %dma_wait3A_20, %dma_wait3A_21] : memref<4x64x1024xf32, #tpu.memory_space<vmem_shared>> -> memref<1x64x1024xf32, #tpu.memory_space<vmem_shared>>
      %dma_wait3A_23 = tpu.memref_squeeze %dma_wait3A_22 : memref<1x64x1024xf32, #tpu.memory_space<vmem_shared>> -> memref<64x1024xf32, #tpu.memory_space<vmem_shared>>
      %dma_wait3A_24 = arith.constant 0 : i32
      %dma_wait3A_25 = tpu.memref_slice %arg1[%add3A_4, %dma_wait3A_24] : memref<8192x1024xf32, #tpu.memory_space<hbm>> -> memref<64x1024xf32, #tpu.memory_space<hbm>>
      tpu.wait_dma2 semaphore(%run_scoped3A : memref<!tpu.dma_semaphore, #tpu.memory_space<semaphore_mem>>) src(%dma_wait3A_25 : memref<64x1024xf32, #tpu.memory_space<hbm>>) dst(%dma_wait3A_23 : memref<64x1024xf32, #tpu.memory_space<vmem_shared>>)
      %add3A_26 = arith.constant 0 : i32
      %add3A_27 = arith.addi %add3A_2, %add3A_26 : i32
      %dma_start3A_28 = arith.constant 0 : i32
      %dma_start3A_29 = arith.constant 0 : i32
      %dma_start3A_30 = tpu.memref_slice %arg2[%add3A_27, %dma_start3A_29] : memref<8192x1024xf32, #tpu.memory_space<hbm>> -> memref<64x1024xf32, #tpu.memory_space<hbm>>
      %dma_start3A_31 = arith.constant 0 : i32
      %dma_start3A_32 = arith.constant 0 : i32
      %dma_start3A_33 = tpu.memref_slice %arg3[%dma_start3A_28, %dma_start3A_31, %dma_start3A_32] : memref<4x64x1024xf32, #tpu.memory_space<vmem_shared>> -> memref<1x64x1024xf32, #tpu.memory_space<vmem_shared>>
      %dma_start3A_34 = tpu.memref_squeeze %dma_start3A_33 : memref<1x64x1024xf32, #tpu.memory_space<vmem_shared>> -> memref<64x1024xf32, #tpu.memory_space<vmem_shared>>
      tpu.enqueue_dma source(%dma_start3A_34 : memref<64x1024xf32, #tpu.memory_space<vmem_shared>>) target(%dma_start3A_30 : memref<64x1024xf32, #tpu.memory_space<hbm>>) target_semaphore(%run_scoped3A_0 : memref<!tpu.dma_semaphore, #tpu.memory_space<semaphore_mem>>)
      %add3A_35 = arith.constant 128 : i32
      %add3A_36 = arith.addi %add3A_2, %add3A_35 : i32
      %dma_start3A_37 = arith.constant 2 : i32
      %dma_start3A_38 = arith.constant 0 : i32
      %dma_start3A_39 = arith.constant 0 : i32
      %dma_start3A_40 = tpu.memref_slice %arg3[%dma_start3A_37, %dma_start3A_38, %dma_start3A_39] : memref<4x64x1024xf32, #tpu.memory_space<vmem_shared>> -> memref<1x64x1024xf32, #tpu.memory_space<vmem_shared>>
      %dma_start3A_41 = tpu.memref_squeeze %dma_start3A_40 : memref<1x64x1024xf32, #tpu.memory_space<vmem_shared>> -> memref<64x1024xf32, #tpu.memory_space<vmem_shared>>
      %dma_start3A_42 = arith.constant 0 : i32
      %dma_start3A_43 = tpu.memref_slice %arg1[%add3A_36, %dma_start3A_42] : memref<8192x1024xf32, #tpu.memory_space<hbm>> -> memref<64x1024xf32, #tpu.memory_space<hbm>>
      tpu.enqueue_dma source(%dma_start3A_43 : memref<64x1024xf32, #tpu.memory_space<hbm>>) target(%dma_start3A_41 : memref<64x1024xf32, #tpu.memory_space<vmem_shared>>) target_semaphore(%run_scoped3A : memref<!tpu.dma_semaphore, #tpu.memory_space<semaphore_mem>>)
      %dma_wait3A_44 = arith.constant 1 : i32
      %dma_wait3A_45 = arith.constant 0 : i32
      %dma_wait3A_46 = arith.constant 0 : i32
      %dma_wait3A_47 = tpu.memref_slice %arg3[%dma_wait3A_44, %dma_wait3A_45, %dma_wait3A_46] : memref<4x64x1024xf32, #tpu.memory_space<vmem_shared>> -> memref<1x64x1024xf32, #tpu.memory_space<vmem_shared>>
      %dma_wait3A_48 = tpu.memref_squeeze %dma_wait3A_47 : memref<1x64x1024xf32, #tpu.memory_space<vmem_shared>> -> memref<64x1024xf32, #tpu.memory_space<vmem_shared>>
      %dma_wait3A_49 = arith.constant 0 : i32
      %dma_wait3A_50 = tpu.memref_slice %arg1[%add3A_12, %dma_wait3A_49] : memref<8192x1024xf32, #tpu.memory_space<hbm>> -> memref<64x1024xf32, #tpu.memory_space<hbm>>
      tpu.wait_dma2 semaphore(%run_scoped3A : memref<!tpu.dma_semaphore, #tpu.memory_space<semaphore_mem>>) src(%dma_wait3A_50 : memref<64x1024xf32, #tpu.memory_space<hbm>>) dst(%dma_wait3A_48 : memref<64x1024xf32, #tpu.memory_space<vmem_shared>>)
      %add3A_51 = arith.constant 64 : i32
      %add3A_52 = arith.addi %add3A_2, %add3A_51 : i32
      %dma_start3A_53 = arith.constant 1 : i32
      %dma_start3A_54 = arith.constant 0 : i32
      %dma_start3A_55 = tpu.memref_slice %arg2[%add3A_52, %dma_start3A_54] : memref<8192x1024xf32, #tpu.memory_space<hbm>> -> memref<64x1024xf32, #tpu.memory_space<hbm>>
      %dma_start3A_56 = arith.constant 0 : i32
      %dma_start3A_57 = arith.constant 0 : i32
      %dma_start3A_58 = tpu.memref_slice %arg3[%dma_start3A_53, %dma_start3A_56, %dma_start3A_57] : memref<4x64x1024xf32, #tpu.memory_space<vmem_shared>> -> memref<1x64x1024xf32, #tpu.memory_space<vmem_shared>>
      %dma_start3A_59 = tpu.memref_squeeze %dma_start3A_58 : memref<1x64x1024xf32, #tpu.memory_space<vmem_shared>> -> memref<64x1024xf32, #tpu.memory_space<vmem_shared>>
      tpu.enqueue_dma source(%dma_start3A_59 : memref<64x1024xf32, #tpu.memory_space<vmem_shared>>) target(%dma_start3A_55 : memref<64x1024xf32, #tpu.memory_space<hbm>>) target_semaphore(%run_scoped3A_0 : memref<!tpu.dma_semaphore, #tpu.memory_space<semaphore_mem>>)
      %add3A_60 = arith.constant 192 : i32
      %add3A_61 = arith.addi %add3A_2, %add3A_60 : i32
      %dma_start3A_62 = arith.constant 3 : i32
      %dma_start3A_63 = arith.constant 0 : i32
      %dma_start3A_64 = arith.constant 0 : i32
      %dma_start3A_65 = tpu.memref_slice %arg3[%dma_start3A_62, %dma_start3A_63, %dma_start3A_64] : memref<4x64x1024xf32, #tpu.memory_space<vmem_shared>> -> memref<1x64x1024xf32, #tpu.memory_space<vmem_shared>>
      %dma_start3A_66 = tpu.memref_squeeze %dma_start3A_65 : memref<1x64x1024xf32, #tpu.memory_space<vmem_shared>> -> memref<64x1024xf32, #tpu.memory_space<vmem_shared>>
      %dma_start3A_67 = arith.constant 0 : i32
      %dma_start3A_68 = tpu.memref_slice %arg1[%add3A_61, %dma_start3A_67] : memref<8192x1024xf32, #tpu.memory_space<hbm>> -> memref<64x1024xf32, #tpu.memory_space<hbm>>
      tpu.enqueue_dma source(%dma_start3A_68 : memref<64x1024xf32, #tpu.memory_space<hbm>>) target(%dma_start3A_66 : memref<64x1024xf32, #tpu.memory_space<vmem_shared>>) target_semaphore(%run_scoped3A : memref<!tpu.dma_semaphore, #tpu.memory_space<semaphore_mem>>)
      %dma_wait3A_69 = arith.constant 2 : i32
      %dma_wait3A_70 = arith.constant 0 : i32
      %dma_wait3A_71 = arith.constant 0 : i32
      %dma_wait3A_72 = tpu.memref_slice %arg3[%dma_wait3A_69, %dma_wait3A_70, %dma_wait3A_71] : memref<4x64x1024xf32, #tpu.memory_space<vmem_shared>> -> memref<1x64x1024xf32, #tpu.memory_space<vmem_shared>>
      %dma_wait3A_73 = tpu.memref_squeeze %dma_wait3A_72 : memref<1x64x1024xf32, #tpu.memory_space<vmem_shared>> -> memref<64x1024xf32, #tpu.memory_space<vmem_shared>>
      %dma_wait3A_74 = arith.constant 0 : i32
      %dma_wait3A_75 = tpu.memref_slice %arg1[%add3A_36, %dma_wait3A_74] : memref<8192x1024xf32, #tpu.memory_space<hbm>> -> memref<64x1024xf32, #tpu.memory_space<hbm>>
      tpu.wait_dma2 semaphore(%run_scoped3A : memref<!tpu.dma_semaphore, #tpu.memory_space<semaphore_mem>>) src(%dma_wait3A_75 : memref<64x1024xf32, #tpu.memory_space<hbm>>) dst(%dma_wait3A_73 : memref<64x1024xf32, #tpu.memory_space<vmem_shared>>)
      %add3A_76 = arith.constant 128 : i32
      %add3A_77 = arith.addi %add3A_2, %add3A_76 : i32
      %dma_start3A_78 = arith.constant 2 : i32
      %dma_start3A_79 = arith.constant 0 : i32
      %dma_start3A_80 = tpu.memref_slice %arg2[%add3A_77, %dma_start3A_79] : memref<8192x1024xf32, #tpu.memory_space<hbm>> -> memref<64x1024xf32, #tpu.memory_space<hbm>>
      %dma_start3A_81 = arith.constant 0 : i32
      %dma_start3A_82 = arith.constant 0 : i32
      %dma_start3A_83 = tpu.memref_slice %arg3[%dma_start3A_78, %dma_start3A_81, %dma_start3A_82] : memref<4x64x1024xf32, #tpu.memory_space<vmem_shared>> -> memref<1x64x1024xf32, #tpu.memory_space<vmem_shared>>
      %dma_start3A_84 = tpu.memref_squeeze %dma_start3A_83 : memref<1x64x1024xf32, #tpu.memory_space<vmem_shared>> -> memref<64x1024xf32, #tpu.memory_space<vmem_shared>>
      tpu.enqueue_dma source(%dma_start3A_84 : memref<64x1024xf32, #tpu.memory_space<vmem_shared>>) target(%dma_start3A_80 : memref<64x1024xf32, #tpu.memory_space<hbm>>) target_semaphore(%run_scoped3A_0 : memref<!tpu.dma_semaphore, #tpu.memory_space<semaphore_mem>>)
      %dma_wait3A_85 = arith.constant 0 : i32
      %dma_wait3A_86 = arith.constant 0 : i32
      %dma_wait3A_87 = tpu.memref_slice %arg2[%add3A_27, %dma_wait3A_86] : memref<8192x1024xf32, #tpu.memory_space<hbm>> -> memref<64x1024xf32, #tpu.memory_space<hbm>>
      %dma_wait3A_88 = arith.constant 0 : i32
      %dma_wait3A_89 = arith.constant 0 : i32
      %dma_wait3A_90 = tpu.memref_slice %arg3[%dma_wait3A_85, %dma_wait3A_88, %dma_wait3A_89] : memref<4x64x1024xf32, #tpu.memory_space<vmem_shared>> -> memref<1x64x1024xf32, #tpu.memory_space<vmem_shared>>
      %dma_wait3A_91 = tpu.memref_squeeze %dma_wait3A_90 : memref<1x64x1024xf32, #tpu.memory_space<vmem_shared>> -> memref<64x1024xf32, #tpu.memory_space<vmem_shared>>
      tpu.wait_dma2 semaphore(%run_scoped3A_0 : memref<!tpu.dma_semaphore, #tpu.memory_space<semaphore_mem>>) src(%dma_wait3A_91 : memref<64x1024xf32, #tpu.memory_space<vmem_shared>>) dst(%dma_wait3A_87 : memref<64x1024xf32, #tpu.memory_space<hbm>>)
      %add3A_92 = arith.constant 256 : i32
      %add3A_93 = arith.addi %add3A_2, %add3A_92 : i32
      %dma_start3A_94 = arith.constant 0 : i32
      %dma_start3A_95 = arith.constant 0 : i32
      %dma_start3A_96 = arith.constant 0 : i32
      %dma_start3A_97 = tpu.memref_slice %arg3[%dma_start3A_94, %dma_start3A_95, %dma_start3A_96] : memref<4x64x1024xf32, #tpu.memory_space<vmem_shared>> -> memref<1x64x1024xf32, #tpu.memory_space<vmem_shared>>
      %dma_start3A_98 = tpu.memref_squeeze %dma_start3A_97 : memref<1x64x1024xf32, #tpu.memory_space<vmem_shared>> -> memref<64x1024xf32, #tpu.memory_space<vmem_shared>>
      %dma_start3A_99 = arith.constant 0 : i32
      %dma_start3A_100 = tpu.memref_slice %arg1[%add3A_93, %dma_start3A_99] : memref<8192x1024xf32, #tpu.memory_space<hbm>> -> memref<64x1024xf32, #tpu.memory_space<hbm>>
      tpu.enqueue_dma source(%dma_start3A_100 : memref<64x1024xf32, #tpu.memory_space<hbm>>) target(%dma_start3A_98 : memref<64x1024xf32, #tpu.memory_space<vmem_shared>>) target_semaphore(%run_scoped3A : memref<!tpu.dma_semaphore, #tpu.memory_space<semaphore_mem>>)
      %dma_wait3A_101 = arith.constant 3 : i32
      %dma_wait3A_102 = arith.constant 0 : i32
      %dma_wait3A_103 = arith.constant 0 : i32
      %dma_wait3A_104 = tpu.memref_slice %arg3[%dma_wait3A_101, %dma_wait3A_102, %dma_wait3A_103] : memref<4x64x1024xf32, #tpu.memory_space<vmem_shared>> -> memref<1x64x1024xf32, #tpu.memory_space<vmem_shared>>
      %dma_wait3A_105 = tpu.memref_squeeze %dma_wait3A_104 : memref<1x64x1024xf32, #tpu.memory_space<vmem_shared>> -> memref<64x1024xf32, #tpu.memory_space<vmem_shared>>
      %dma_wait3A_106 = arith.constant 0 : i32
      %dma_wait3A_107 = tpu.memref_slice %arg1[%add3A_61, %dma_wait3A_106] : memref<8192x1024xf32, #tpu.memory_space<hbm>> -> memref<64x1024xf32, #tpu.memory_space<hbm>>
      tpu.wait_dma2 semaphore(%run_scoped3A : memref<!tpu.dma_semaphore, #tpu.memory_space<semaphore_mem>>) src(%dma_wait3A_107 : memref<64x1024xf32, #tpu.memory_space<hbm>>) dst(%dma_wait3A_105 : memref<64x1024xf32, #tpu.memory_space<vmem_shared>>)
      %add3A_108 = arith.constant 192 : i32
      %add3A_109 = arith.addi %add3A_2, %add3A_108 : i32
      %dma_start3A_110 = arith.constant 3 : i32
      %dma_start3A_111 = arith.constant 0 : i32
      %dma_start3A_112 = tpu.memref_slice %arg2[%add3A_109, %dma_start3A_111] : memref<8192x1024xf32, #tpu.memory_space<hbm>> -> memref<64x1024xf32, #tpu.memory_space<hbm>>
      %dma_start3A_113 = arith.constant 0 : i32
      %dma_start3A_114 = arith.constant 0 : i32
      %dma_start3A_115 = tpu.memref_slice %arg3[%dma_start3A_110, %dma_start3A_113, %dma_start3A_114] : memref<4x64x1024xf32, #tpu.memory_space<vmem_shared>> -> memref<1x64x1024xf32, #tpu.memory_space<vmem_shared>>
      %dma_start3A_116 = tpu.memref_squeeze %dma_start3A_115 : memref<1x64x1024xf32, #tpu.memory_space<vmem_shared>> -> memref<64x1024xf32, #tpu.memory_space<vmem_shared>>
      tpu.enqueue_dma source(%dma_start3A_116 : memref<64x1024xf32, #tpu.memory_space<vmem_shared>>) target(%dma_start3A_112 : memref<64x1024xf32, #tpu.memory_space<hbm>>) target_semaphore(%run_scoped3A_0 : memref<!tpu.dma_semaphore, #tpu.memory_space<semaphore_mem>>)
      %dma_wait3A_117 = arith.constant 1 : i32
      %dma_wait3A_118 = arith.constant 0 : i32
      %dma_wait3A_119 = tpu.memref_slice %arg2[%add3A_52, %dma_wait3A_118] : memref<8192x1024xf32, #tpu.memory_space<hbm>> -> memref<64x1024xf32, #tpu.memory_space<hbm>>
      %dma_wait3A_120 = arith.constant 0 : i32
      %dma_wait3A_121 = arith.constant 0 : i32
      %dma_wait3A_122 = tpu.memref_slice %arg3[%dma_wait3A_117, %dma_wait3A_120, %dma_wait3A_121] : memref<4x64x1024xf32, #tpu.memory_space<vmem_shared>> -> memref<1x64x1024xf32, #tpu.memory_space<vmem_shared>>
      %dma_wait3A_123 = tpu.memref_squeeze %dma_wait3A_122 : memref<1x64x1024xf32, #tpu.memory_space<vmem_shared>> -> memref<64x1024xf32, #tpu.memory_space<vmem_shared>>
      tpu.wait_dma2 semaphore(%run_scoped3A_0 : memref<!tpu.dma_semaphore, #tpu.memory_space<semaphore_mem>>) src(%dma_wait3A_123 : memref<64x1024xf32, #tpu.memory_space<vmem_shared>>) dst(%dma_wait3A_119 : memref<64x1024xf32, #tpu.memory_space<hbm>>)
      %add3A_124 = arith.constant 320 : i32
      %add3A_125 = arith.addi %add3A_2, %add3A_124 : i32
      %dma_start3A_126 = arith.constant 1 : i32
      %dma_start3A_127 = arith.constant 0 : i32
      %dma_start3A_128 = arith.constant 0 : i32
      %dma_start3A_129 = tpu.memref_slice %arg3[%dma_start3A_126, %dma_start3A_127, %dma_start3A_128] : memref<4x64x1024xf32, #tpu.memory_space<vmem_shared>> -> memref<1x64x1024xf32, #tpu.memory_space<vmem_shared>>
      %dma_start3A_130 = tpu.memref_squeeze %dma_start3A_129 : memref<1x64x1024xf32, #tpu.memory_space<vmem_shared>> -> memref<64x1024xf32, #tpu.memory_space<vmem_shared>>
      %dma_start3A_131 = arith.constant 0 : i32
      %dma_start3A_132 = tpu.memref_slice %arg1[%add3A_125, %dma_start3A_131] : memref<8192x1024xf32, #tpu.memory_space<hbm>> -> memref<64x1024xf32, #tpu.memory_space<hbm>>
      tpu.enqueue_dma source(%dma_start3A_132 : memref<64x1024xf32, #tpu.memory_space<hbm>>) target(%dma_start3A_130 : memref<64x1024xf32, #tpu.memory_space<vmem_shared>>) target_semaphore(%run_scoped3A : memref<!tpu.dma_semaphore, #tpu.memory_space<semaphore_mem>>)
      %dma_wait3A_133 = arith.constant 0 : i32
      %dma_wait3A_134 = arith.constant 0 : i32
      %dma_wait3A_135 = arith.constant 0 : i32
      %dma_wait3A_136 = tpu.memref_slice %arg3[%dma_wait3A_133, %dma_wait3A_134, %dma_wait3A_135] : memref<4x64x1024xf32, #tpu.memory_space<vmem_shared>> -> memref<1x64x1024xf32, #tpu.memory_space<vmem_shared>>
      %dma_wait3A_137 = tpu.memref_squeeze %dma_wait3A_136 : memref<1x64x1024xf32, #tpu.memory_space<vmem_shared>> -> memref<64x1024xf32, #tpu.memory_space<vmem_shared>>
      %dma_wait3A_138 = arith.constant 0 : i32
      %dma_wait3A_139 = tpu.memref_slice %arg1[%add3A_93, %dma_wait3A_138] : memref<8192x1024xf32, #tpu.memory_space<hbm>> -> memref<64x1024xf32, #tpu.memory_space<hbm>>
      tpu.wait_dma2 semaphore(%run_scoped3A : memref<!tpu.dma_semaphore, #tpu.memory_space<semaphore_mem>>) src(%dma_wait3A_139 : memref<64x1024xf32, #tpu.memory_space<hbm>>) dst(%dma_wait3A_137 : memref<64x1024xf32, #tpu.memory_space<vmem_shared>>)
      %add3A_140 = arith.constant 256 : i32
      %add3A_141 = arith.addi %add3A_2, %add3A_140 : i32
      %dma_start3A_142 = arith.constant 0 : i32
      %dma_start3A_143 = arith.constant 0 : i32
      %dma_start3A_144 = tpu.memref_slice %arg2[%add3A_141, %dma_start3A_143] : memref<8192x1024xf32, #tpu.memory_space<hbm>> -> memref<64x1024xf32, #tpu.memory_space<hbm>>
      %dma_start3A_145 = arith.constant 0 : i32
      %dma_start3A_146 = arith.constant 0 : i32
      %dma_start3A_147 = tpu.memref_slice %arg3[%dma_start3A_142, %dma_start3A_145, %dma_start3A_146] : memref<4x64x1024xf32, #tpu.memory_space<vmem_shared>> -> memref<1x64x1024xf32, #tpu.memory_space<vmem_shared>>
      %dma_start3A_148 = tpu.memref_squeeze %dma_start3A_147 : memref<1x64x1024xf32, #tpu.memory_space<vmem_shared>> -> memref<64x1024xf32, #tpu.memory_space<vmem_shared>>
      tpu.enqueue_dma source(%dma_start3A_148 : memref<64x1024xf32, #tpu.memory_space<vmem_shared>>) target(%dma_start3A_144 : memref<64x1024xf32, #tpu.memory_space<hbm>>) target_semaphore(%run_scoped3A_0 : memref<!tpu.dma_semaphore, #tpu.memory_space<semaphore_mem>>)
      %dma_wait3A_149 = arith.constant 2 : i32
      %dma_wait3A_150 = arith.constant 0 : i32
      %dma_wait3A_151 = tpu.memref_slice %arg2[%add3A_77, %dma_wait3A_150] : memref<8192x1024xf32, #tpu.memory_space<hbm>> -> memref<64x1024xf32, #tpu.memory_space<hbm>>
      %dma_wait3A_152 = arith.constant 0 : i32
      %dma_wait3A_153 = arith.constant 0 : i32
      %dma_wait3A_154 = tpu.memref_slice %arg3[%dma_wait3A_149, %dma_wait3A_152, %dma_wait3A_153] : memref<4x64x1024xf32, #tpu.memory_space<vmem_shared>> -> memref<1x64x1024xf32, #tpu.memory_space<vmem_shared>>
      %dma_wait3A_155 = tpu.memref_squeeze %dma_wait3A_154 : memref<1x64x1024xf32, #tpu.memory_space<vmem_shared>> -> memref<64x1024xf32, #tpu.memory_space<vmem_shared>>
      tpu.wait_dma2 semaphore(%run_scoped3A_0 : memref<!tpu.dma_semaphore, #tpu.memory_space<semaphore_mem>>) src(%dma_wait3A_155 : memref<64x1024xf32, #tpu.memory_space<vmem_shared>>) dst(%dma_wait3A_151 : memref<64x1024xf32, #tpu.memory_space<hbm>>)
      %add3A_156 = arith.constant 384 : i32
      %add3A_157 = arith.addi %add3A_2, %add3A_156 : i32
      %dma_start3A_158 = arith.constant 2 : i32
      %dma_start3A_159 = arith.constant 0 : i32
      %dma_start3A_160 = arith.constant 0 : i32
      %dma_start3A_161 = tpu.memref_slice %arg3[%dma_start3A_158, %dma_start3A_159, %dma_start3A_160] : memref<4x64x1024xf32, #tpu.memory_space<vmem_shared>> -> memref<1x64x1024xf32, #tpu.memory_space<vmem_shared>>
      %dma_start3A_162 = tpu.memref_squeeze %dma_start3A_161 : memref<1x64x1024xf32, #tpu.memory_space<vmem_shared>> -> memref<64x1024xf32, #tpu.memory_space<vmem_shared>>
      %dma_start3A_163 = arith.constant 0 : i32
      %dma_start3A_164 = tpu.memref_slice %arg1[%add3A_157, %dma_start3A_163] : memref<8192x1024xf32, #tpu.memory_space<hbm>> -> memref<64x1024xf32, #tpu.memory_space<hbm>>
      tpu.enqueue_dma source(%dma_start3A_164 : memref<64x1024xf32, #tpu.memory_space<hbm>>) target(%dma_start3A_162 : memref<64x1024xf32, #tpu.memory_space<vmem_shared>>) target_semaphore(%run_scoped3A : memref<!tpu.dma_semaphore, #tpu.memory_space<semaphore_mem>>)
      %dma_wait3A_165 = arith.constant 1 : i32
      %dma_wait3A_166 = arith.constant 0 : i32
      %dma_wait3A_167 = arith.constant 0 : i32
      %dma_wait3A_168 = tpu.memref_slice %arg3[%dma_wait3A_165, %dma_wait3A_166, %dma_wait3A_167] : memref<4x64x1024xf32, #tpu.memory_space<vmem_shared>> -> memref<1x64x1024xf32, #tpu.memory_space<vmem_shared>>
      %dma_wait3A_169 = tpu.memref_squeeze %dma_wait3A_168 : memref<1x64x1024xf32, #tpu.memory_space<vmem_shared>> -> memref<64x1024xf32, #tpu.memory_space<vmem_shared>>
      %dma_wait3A_170 = arith.constant 0 : i32
      %dma_wait3A_171 = tpu.memref_slice %arg1[%add3A_125, %dma_wait3A_170] : memref<8192x1024xf32, #tpu.memory_space<hbm>> -> memref<64x1024xf32, #tpu.memory_space<hbm>>
      tpu.wait_dma2 semaphore(%run_scoped3A : memref<!tpu.dma_semaphore, #tpu.memory_space<semaphore_mem>>) src(%dma_wait3A_171 : memref<64x1024xf32, #tpu.memory_space<hbm>>) dst(%dma_wait3A_169 : memref<64x1024xf32, #tpu.memory_space<vmem_shared>>)
      %add3A_172 = arith.constant 320 : i32
      %add3A_173 = arith.addi %add3A_2, %add3A_172 : i32
      %dma_start3A_174 = arith.constant 1 : i32
      %dma_start3A_175 = arith.constant 0 : i32
      %dma_start3A_176 = tpu.memref_slice %arg2[%add3A_173, %dma_start3A_175] : memref<8192x1024xf32, #tpu.memory_space<hbm>> -> memref<64x1024xf32, #tpu.memory_space<hbm>>
      %dma_start3A_177 = arith.constant 0 : i32
      %dma_start3A_178 = arith.constant 0 : i32
      %dma_start3A_179 = tpu.memref_slice %arg3[%dma_start3A_174, %dma_start3A_177, %dma_start3A_178] : memref<4x64x1024xf32, #tpu.memory_space<vmem_shared>> -> memref<1x64x1024xf32, #tpu.memory_space<vmem_shared>>
      %dma_start3A_180 = tpu.memref_squeeze %dma_start3A_179 : memref<1x64x1024xf32, #tpu.memory_space<vmem_shared>> -> memref<64x1024xf32, #tpu.memory_space<vmem_shared>>
      tpu.enqueue_dma source(%dma_start3A_180 : memref<64x1024xf32, #tpu.memory_space<vmem_shared>>) target(%dma_start3A_176 : memref<64x1024xf32, #tpu.memory_space<hbm>>) target_semaphore(%run_scoped3A_0 : memref<!tpu.dma_semaphore, #tpu.memory_space<semaphore_mem>>)
      %dma_wait3A_181 = arith.constant 3 : i32
      %dma_wait3A_182 = arith.constant 0 : i32
      %dma_wait3A_183 = tpu.memref_slice %arg2[%add3A_109, %dma_wait3A_182] : memref<8192x1024xf32, #tpu.memory_space<hbm>> -> memref<64x1024xf32, #tpu.memory_space<hbm>>
      %dma_wait3A_184 = arith.constant 0 : i32
      %dma_wait3A_185 = arith.constant 0 : i32
      %dma_wait3A_186 = tpu.memref_slice %arg3[%dma_wait3A_181, %dma_wait3A_184, %dma_wait3A_185] : memref<4x64x1024xf32, #tpu.memory_space<vmem_shared>> -> memref<1x64x1024xf32, #tpu.memory_space<vmem_shared>>
      %dma_wait3A_187 = tpu.memref_squeeze %dma_wait3A_186 : memref<1x64x1024xf32, #tpu.memory_space<vmem_shared>> -> memref<64x1024xf32, #tpu.memory_space<vmem_shared>>
      tpu.wait_dma2 semaphore(%run_scoped3A_0 : memref<!tpu.dma_semaphore, #tpu.memory_space<semaphore_mem>>) src(%dma_wait3A_187 : memref<64x1024xf32, #tpu.memory_space<vmem_shared>>) dst(%dma_wait3A_183 : memref<64x1024xf32, #tpu.memory_space<hbm>>)
      %add3A_188 = arith.constant 448 : i32
      %add3A_189 = arith.addi %add3A_2, %add3A_188 : i32
      %dma_start3A_190 = arith.constant 3 : i32
      %dma_start3A_191 = arith.constant 0 : i32
      %dma_start3A_192 = arith.constant 0 : i32
      %dma_start3A_193 = tpu.memref_slice %arg3[%dma_start3A_190, %dma_start3A_191, %dma_start3A_192] : memref<4x64x1024xf32, #tpu.memory_space<vmem_shared>> -> memref<1x64x1024xf32, #tpu.memory_space<vmem_shared>>
      %dma_start3A_194 = tpu.memref_squeeze %dma_start3A_193 : memref<1x64x1024xf32, #tpu.memory_space<vmem_shared>> -> memref<64x1024xf32, #tpu.memory_space<vmem_shared>>
      %dma_start3A_195 = arith.constant 0 : i32
      %dma_start3A_196 = tpu.memref_slice %arg1[%add3A_189, %dma_start3A_195] : memref<8192x1024xf32, #tpu.memory_space<hbm>> -> memref<64x1024xf32, #tpu.memory_space<hbm>>
      tpu.enqueue_dma source(%dma_start3A_196 : memref<64x1024xf32, #tpu.memory_space<hbm>>) target(%dma_start3A_194 : memref<64x1024xf32, #tpu.memory_space<vmem_shared>>) target_semaphore(%run_scoped3A : memref<!tpu.dma_semaphore, #tpu.memory_space<semaphore_mem>>)
      %dma_wait3A_197 = arith.constant 2 : i32
      %dma_wait3A_198 = arith.constant 0 : i32
      %dma_wait3A_199 = arith.constant 0 : i32
      %dma_wait3A_200 = tpu.memref_slice %arg3[%dma_wait3A_197, %dma_wait3A_198, %dma_wait3A_199] : memref<4x64x1024xf32, #tpu.memory_space<vmem_shared>> -> memref<1x64x1024xf32, #tpu.memory_space<vmem_shared>>
      %dma_wait3A_201 = tpu.memref_squeeze %dma_wait3A_200 : memref<1x64x1024xf32, #tpu.memory_space<vmem_shared>> -> memref<64x1024xf32, #tpu.memory_space<vmem_shared>>
      %dma_wait3A_202 = arith.constant 0 : i32
      %dma_wait3A_203 = tpu.memref_slice %arg1[%add3A_157, %dma_wait3A_202] : memref<8192x1024xf32, #tpu.memory_space<hbm>> -> memref<64x1024xf32, #tpu.memory_space<hbm>>
      tpu.wait_dma2 semaphore(%run_scoped3A : memref<!tpu.dma_semaphore, #tpu.memory_space<semaphore_mem>>) src(%dma_wait3A_203 : memref<64x1024xf32, #tpu.memory_space<hbm>>) dst(%dma_wait3A_201 : memref<64x1024xf32, #tpu.memory_space<vmem_shared>>)
      %add3A_204 = arith.constant 384 : i32
      %add3A_205 = arith.addi %add3A_2, %add3A_204 : i32
      %dma_start3A_206 = arith.constant 2 : i32
      %dma_start3A_207 = arith.constant 0 : i32
      %dma_start3A_208 = tpu.memref_slice %arg2[%add3A_205, %dma_start3A_207] : memref<8192x1024xf32, #tpu.memory_space<hbm>> -> memref<64x1024xf32, #tpu.memory_space<hbm>>
      %dma_start3A_209 = arith.constant 0 : i32
      %dma_start3A_210 = arith.constant 0 : i32
      %dma_start3A_211 = tpu.memref_slice %arg3[%dma_start3A_206, %dma_start3A_209, %dma_start3A_210] : memref<4x64x1024xf32, #tpu.memory_space<vmem_shared>> -> memref<1x64x1024xf32, #tpu.memory_space<vmem_shared>>
      %dma_start3A_212 = tpu.memref_squeeze %dma_start3A_211 : memref<1x64x1024xf32, #tpu.memory_space<vmem_shared>> -> memref<64x1024xf32, #tpu.memory_space<vmem_shared>>
      tpu.enqueue_dma source(%dma_start3A_212 : memref<64x1024xf32, #tpu.memory_space<vmem_shared>>) target(%dma_start3A_208 : memref<64x1024xf32, #tpu.memory_space<hbm>>) target_semaphore(%run_scoped3A_0 : memref<!tpu.dma_semaphore, #tpu.memory_space<semaphore_mem>>)
      %dma_wait3A_213 = arith.constant 0 : i32
      %dma_wait3A_214 = arith.constant 0 : i32
      %dma_wait3A_215 = tpu.memref_slice %arg2[%add3A_141, %dma_wait3A_214] : memref<8192x1024xf32, #tpu.memory_space<hbm>> -> memref<64x1024xf32, #tpu.memory_space<hbm>>
      %dma_wait3A_216 = arith.constant 0 : i32
      %dma_wait3A_217 = arith.constant 0 : i32
      %dma_wait3A_218 = tpu.memref_slice %arg3[%dma_wait3A_213, %dma_wait3A_216, %dma_wait3A_217] : memref<4x64x1024xf32, #tpu.memory_space<vmem_shared>> -> memref<1x64x1024xf32, #tpu.memory_space<vmem_shared>>
      %dma_wait3A_219 = tpu.memref_squeeze %dma_wait3A_218 : memref<1x64x1024xf32, #tpu.memory_space<vmem_shared>> -> memref<64x1024xf32, #tpu.memory_space<vmem_shared>>
      tpu.wait_dma2 semaphore(%run_scoped3A_0 : memref<!tpu.dma_semaphore, #tpu.memory_space<semaphore_mem>>) src(%dma_wait3A_219 : memref<64x1024xf32, #tpu.memory_space<vmem_shared>>) dst(%dma_wait3A_215 : memref<64x1024xf32, #tpu.memory_space<hbm>>)
      %add3A_220 = arith.constant 512 : i32
      %add3A_221 = arith.addi %add3A_2, %add3A_220 : i32
      %dma_start3A_222 = arith.constant 0 : i32
      %dma_start3A_223 = arith.constant 0 : i32
      %dma_start3A_224 = arith.constant 0 : i32
      %dma_start3A_225 = tpu.memref_slice %arg3[%dma_start3A_222, %dma_start3A_223, %dma_start3A_224] : memref<4x64x1024xf32, #tpu.memory_space<vmem_shared>> -> memref<1x64x1024xf32, #tpu.memory_space<vmem_shared>>
      %dma_start3A_226 = tpu.memref_squeeze %dma_start3A_225 : memref<1x64x1024xf32, #tpu.memory_space<vmem_shared>> -> memref<64x1024xf32, #tpu.memory_space<vmem_shared>>
      %dma_start3A_227 = arith.constant 0 : i32
      %dma_start3A_228 = tpu.memref_slice %arg1[%add3A_221, %dma_start3A_227] : memref<8192x1024xf32, #tpu.memory_space<hbm>> -> memref<64x1024xf32, #tpu.memory_space<hbm>>
      tpu.enqueue_dma source(%dma_start3A_228 : memref<64x1024xf32, #tpu.memory_space<hbm>>) target(%dma_start3A_226 : memref<64x1024xf32, #tpu.memory_space<vmem_shared>>) target_semaphore(%run_scoped3A : memref<!tpu.dma_semaphore, #tpu.memory_space<semaphore_mem>>)
      %dma_wait3A_229 = arith.constant 3 : i32
      %dma_wait3A_230 = arith.constant 0 : i32
      %dma_wait3A_231 = arith.constant 0 : i32
      %dma_wait3A_232 = tpu.memref_slice %arg3[%dma_wait3A_229, %dma_wait3A_230, %dma_wait3A_231] : memref<4x64x1024xf32, #tpu.memory_space<vmem_shared>> -> memref<1x64x1024xf32, #tpu.memory_space<vmem_shared>>
      %dma_wait3A_233 = tpu.memref_squeeze %dma_wait3A_232 : memref<1x64x1024xf32, #tpu.memory_space<vmem_shared>> -> memref<64x1024xf32, #tpu.memory_space<vmem_shared>>
      %dma_wait3A_234 = arith.constant 0 : i32
      %dma_wait3A_235 = tpu.memref_slice %arg1[%add3A_189, %dma_wait3A_234] : memref<8192x1024xf32, #tpu.memory_space<hbm>> -> memref<64x1024xf32, #tpu.memory_space<hbm>>
      tpu.wait_dma2 semaphore(%run_scoped3A : memref<!tpu.dma_semaphore, #tpu.memory_space<semaphore_mem>>) src(%dma_wait3A_235 : memref<64x1024xf32, #tpu.memory_space<hbm>>) dst(%dma_wait3A_233 : memref<64x1024xf32, #tpu.memory_space<vmem_shared>>)
      %add3A_236 = arith.constant 448 : i32
      %add3A_237 = arith.addi %add3A_2, %add3A_236 : i32
      %dma_start3A_238 = arith.constant 3 : i32
      %dma_start3A_239 = arith.constant 0 : i32
      %dma_start3A_240 = tpu.memref_slice %arg2[%add3A_237, %dma_start3A_239] : memref<8192x1024xf32, #tpu.memory_space<hbm>> -> memref<64x1024xf32, #tpu.memory_space<hbm>>
      %dma_start3A_241 = arith.constant 0 : i32
      %dma_start3A_242 = arith.constant 0 : i32
      %dma_start3A_243 = tpu.memref_slice %arg3[%dma_start3A_238, %dma_start3A_241, %dma_start3A_242] : memref<4x64x1024xf32, #tpu.memory_space<vmem_shared>> -> memref<1x64x1024xf32, #tpu.memory_space<vmem_shared>>
      %dma_start3A_244 = tpu.memref_squeeze %dma_start3A_243 : memref<1x64x1024xf32, #tpu.memory_space<vmem_shared>> -> memref<64x1024xf32, #tpu.memory_space<vmem_shared>>
      tpu.enqueue_dma source(%dma_start3A_244 : memref<64x1024xf32, #tpu.memory_space<vmem_shared>>) target(%dma_start3A_240 : memref<64x1024xf32, #tpu.memory_space<hbm>>) target_semaphore(%run_scoped3A_0 : memref<!tpu.dma_semaphore, #tpu.memory_space<semaphore_mem>>)
      %dma_wait3A_245 = arith.constant 1 : i32
      %dma_wait3A_246 = arith.constant 0 : i32
      %dma_wait3A_247 = tpu.memref_slice %arg2[%add3A_173, %dma_wait3A_246] : memref<8192x1024xf32, #tpu.memory_space<hbm>> -> memref<64x1024xf32, #tpu.memory_space<hbm>>
      %dma_wait3A_248 = arith.constant 0 : i32
      %dma_wait3A_249 = arith.constant 0 : i32
      %dma_wait3A_250 = tpu.memref_slice %arg3[%dma_wait3A_245, %dma_wait3A_248, %dma_wait3A_249] : memref<4x64x1024xf32, #tpu.memory_space<vmem_shared>> -> memref<1x64x1024xf32, #tpu.memory_space<vmem_shared>>
      %dma_wait3A_251 = tpu.memref_squeeze %dma_wait3A_250 : memref<1x64x1024xf32, #tpu.memory_space<vmem_shared>> -> memref<64x1024xf32, #tpu.memory_space<vmem_shared>>
      tpu.wait_dma2 semaphore(%run_scoped3A_0 : memref<!tpu.dma_semaphore, #tpu.memory_space<semaphore_mem>>) src(%dma_wait3A_251 : memref<64x1024xf32, #tpu.memory_space<vmem_shared>>) dst(%dma_wait3A_247 : memref<64x1024xf32, #tpu.memory_space<hbm>>)
      %add3A_252 = arith.constant 576 : i32
      %add3A_253 = arith.addi %add3A_2, %add3A_252 : i32
      %dma_start3A_254 = arith.constant 1 : i32
      %dma_start3A_255 = arith.constant 0 : i32
      %dma_start3A_256 = arith.constant 0 : i32
      %dma_start3A_257 = tpu.memref_slice %arg3[%dma_start3A_254, %dma_start3A_255, %dma_start3A_256] : memref<4x64x1024xf32, #tpu.memory_space<vmem_shared>> -> memref<1x64x1024xf32, #tpu.memory_space<vmem_shared>>
      %dma_start3A_258 = tpu.memref_squeeze %dma_start3A_257 : memref<1x64x1024xf32, #tpu.memory_space<vmem_shared>> -> memref<64x1024xf32, #tpu.memory_space<vmem_shared>>
      %dma_start3A_259 = arith.constant 0 : i32
      %dma_start3A_260 = tpu.memref_slice %arg1[%add3A_253, %dma_start3A_259] : memref<8192x1024xf32, #tpu.memory_space<hbm>> -> memref<64x1024xf32, #tpu.memory_space<hbm>>
      tpu.enqueue_dma source(%dma_start3A_260 : memref<64x1024xf32, #tpu.memory_space<hbm>>) target(%dma_start3A_258 : memref<64x1024xf32, #tpu.memory_space<vmem_shared>>) target_semaphore(%run_scoped3A : memref<!tpu.dma_semaphore, #tpu.memory_space<semaphore_mem>>)
      %dma_wait3A_261 = arith.constant 0 : i32
      %dma_wait3A_262 = arith.constant 0 : i32
      %dma_wait3A_263 = arith.constant 0 : i32
      %dma_wait3A_264 = tpu.memref_slice %arg3[%dma_wait3A_261, %dma_wait3A_262, %dma_wait3A_263] : memref<4x64x1024xf32, #tpu.memory_space<vmem_shared>> -> memref<1x64x1024xf32, #tpu.memory_space<vmem_shared>>
      %dma_wait3A_265 = tpu.memref_squeeze %dma_wait3A_264 : memref<1x64x1024xf32, #tpu.memory_space<vmem_shared>> -> memref<64x1024xf32, #tpu.memory_space<vmem_shared>>
      %dma_wait3A_266 = arith.constant 0 : i32
      %dma_wait3A_267 = tpu.memref_slice %arg1[%add3A_221, %dma_wait3A_266] : memref<8192x1024xf32, #tpu.memory_space<hbm>> -> memref<64x1024xf32, #tpu.memory_space<hbm>>
      tpu.wait_dma2 semaphore(%run_scoped3A : memref<!tpu.dma_semaphore, #tpu.memory_space<semaphore_mem>>) src(%dma_wait3A_267 : memref<64x1024xf32, #tpu.memory_space<hbm>>) dst(%dma_wait3A_265 : memref<64x1024xf32, #tpu.memory_space<vmem_shared>>)
      %add3A_268 = arith.constant 512 : i32
      %add3A_269 = arith.addi %add3A_2, %add3A_268 : i32
      %dma_start3A_270 = arith.constant 0 : i32
      %dma_start3A_271 = arith.constant 0 : i32
      %dma_start3A_272 = tpu.memref_slice %arg2[%add3A_269, %dma_start3A_271] : memref<8192x1024xf32, #tpu.memory_space<hbm>> -> memref<64x1024xf32, #tpu.memory_space<hbm>>
      %dma_start3A_273 = arith.constant 0 : i32
      %dma_start3A_274 = arith.constant 0 : i32
      %dma_start3A_275 = tpu.memref_slice %arg3[%dma_start3A_270, %dma_start3A_273, %dma_start3A_274] : memref<4x64x1024xf32, #tpu.memory_space<vmem_shared>> -> memref<1x64x1024xf32, #tpu.memory_space<vmem_shared>>
      %dma_start3A_276 = tpu.memref_squeeze %dma_start3A_275 : memref<1x64x1024xf32, #tpu.memory_space<vmem_shared>> -> memref<64x1024xf32, #tpu.memory_space<vmem_shared>>
      tpu.enqueue_dma source(%dma_start3A_276 : memref<64x1024xf32, #tpu.memory_space<vmem_shared>>) target(%dma_start3A_272 : memref<64x1024xf32, #tpu.memory_space<hbm>>) target_semaphore(%run_scoped3A_0 : memref<!tpu.dma_semaphore, #tpu.memory_space<semaphore_mem>>)
      %dma_wait3A_277 = arith.constant 2 : i32
      %dma_wait3A_278 = arith.constant 0 : i32
      %dma_wait3A_279 = tpu.memref_slice %arg2[%add3A_205, %dma_wait3A_278] : memref<8192x1024xf32, #tpu.memory_space<hbm>> -> memref<64x1024xf32, #tpu.memory_space<hbm>>
      %dma_wait3A_280 = arith.constant 0 : i32
      %dma_wait3A_281 = arith.constant 0 : i32
      %dma_wait3A_282 = tpu.memref_slice %arg3[%dma_wait3A_277, %dma_wait3A_280, %dma_wait3A_281] : memref<4x64x1024xf32, #tpu.memory_space<vmem_shared>> -> memref<1x64x1024xf32, #tpu.memory_space<vmem_shared>>
      %dma_wait3A_283 = tpu.memref_squeeze %dma_wait3A_282 : memref<1x64x1024xf32, #tpu.memory_space<vmem_shared>> -> memref<64x1024xf32, #tpu.memory_space<vmem_shared>>
      tpu.wait_dma2 semaphore(%run_scoped3A_0 : memref<!tpu.dma_semaphore, #tpu.memory_space<semaphore_mem>>) src(%dma_wait3A_283 : memref<64x1024xf32, #tpu.memory_space<vmem_shared>>) dst(%dma_wait3A_279 : memref<64x1024xf32, #tpu.memory_space<hbm>>)
      %add3A_284 = arith.constant 640 : i32
      %add3A_285 = arith.addi %add3A_2, %add3A_284 : i32
      %dma_start3A_286 = arith.constant 2 : i32
      %dma_start3A_287 = arith.constant 0 : i32
      %dma_start3A_288 = arith.constant 0 : i32
      %dma_start3A_289 = tpu.memref_slice %arg3[%dma_start3A_286, %dma_start3A_287, %dma_start3A_288] : memref<4x64x1024xf32, #tpu.memory_space<vmem_shared>> -> memref<1x64x1024xf32, #tpu.memory_space<vmem_shared>>
      %dma_start3A_290 = tpu.memref_squeeze %dma_start3A_289 : memref<1x64x1024xf32, #tpu.memory_space<vmem_shared>> -> memref<64x1024xf32, #tpu.memory_space<vmem_shared>>
      %dma_start3A_291 = arith.constant 0 : i32
      %dma_start3A_292 = tpu.memref_slice %arg1[%add3A_285, %dma_start3A_291] : memref<8192x1024xf32, #tpu.memory_space<hbm>> -> memref<64x1024xf32, #tpu.memory_space<hbm>>
      tpu.enqueue_dma source(%dma_start3A_292 : memref<64x1024xf32, #tpu.memory_space<hbm>>) target(%dma_start3A_290 : memref<64x1024xf32, #tpu.memory_space<vmem_shared>>) target_semaphore(%run_scoped3A : memref<!tpu.dma_semaphore, #tpu.memory_space<semaphore_mem>>)
      %dma_wait3A_293 = arith.constant 1 : i32
      %dma_wait3A_294 = arith.constant 0 : i32
      %dma_wait3A_295 = arith.constant 0 : i32
      %dma_wait3A_296 = tpu.memref_slice %arg3[%dma_wait3A_293, %dma_wait3A_294, %dma_wait3A_295] : memref<4x64x1024xf32, #tpu.memory_space<vmem_shared>> -> memref<1x64x1024xf32, #tpu.memory_space<vmem_shared>>
      %dma_wait3A_297 = tpu.memref_squeeze %dma_wait3A_296 : memref<1x64x1024xf32, #tpu.memory_space<vmem_shared>> -> memref<64x1024xf32, #tpu.memory_space<vmem_shared>>
      %dma_wait3A_298 = arith.constant 0 : i32
      %dma_wait3A_299 = tpu.memref_slice %arg1[%add3A_253, %dma_wait3A_298] : memref<8192x1024xf32, #tpu.memory_space<hbm>> -> memref<64x1024xf32, #tpu.memory_space<hbm>>
      tpu.wait_dma2 semaphore(%run_scoped3A : memref<!tpu.dma_semaphore, #tpu.memory_space<semaphore_mem>>) src(%dma_wait3A_299 : memref<64x1024xf32, #tpu.memory_space<hbm>>) dst(%dma_wait3A_297 : memref<64x1024xf32, #tpu.memory_space<vmem_shared>>)
      %add3A_300 = arith.constant 576 : i32
      %add3A_301 = arith.addi %add3A_2, %add3A_300 : i32
      %dma_start3A_302 = arith.constant 1 : i32
      %dma_start3A_303 = arith.constant 0 : i32
      %dma_start3A_304 = tpu.memref_slice %arg2[%add3A_301, %dma_start3A_303] : memref<8192x1024xf32, #tpu.memory_space<hbm>> -> memref<64x1024xf32, #tpu.memory_space<hbm>>
      %dma_start3A_305 = arith.constant 0 : i32
      %dma_start3A_306 = arith.constant 0 : i32
      %dma_start3A_307 = tpu.memref_slice %arg3[%dma_start3A_302, %dma_start3A_305, %dma_start3A_306] : memref<4x64x1024xf32, #tpu.memory_space<vmem_shared>> -> memref<1x64x1024xf32, #tpu.memory_space<vmem_shared>>
      %dma_start3A_308 = tpu.memref_squeeze %dma_start3A_307 : memref<1x64x1024xf32, #tpu.memory_space<vmem_shared>> -> memref<64x1024xf32, #tpu.memory_space<vmem_shared>>
      tpu.enqueue_dma source(%dma_start3A_308 : memref<64x1024xf32, #tpu.memory_space<vmem_shared>>) target(%dma_start3A_304 : memref<64x1024xf32, #tpu.memory_space<hbm>>) target_semaphore(%run_scoped3A_0 : memref<!tpu.dma_semaphore, #tpu.memory_space<semaphore_mem>>)
      %dma_wait3A_309 = arith.constant 3 : i32
      %dma_wait3A_310 = arith.constant 0 : i32
      %dma_wait3A_311 = tpu.memref_slice %arg2[%add3A_237, %dma_wait3A_310] : memref<8192x1024xf32, #tpu.memory_space<hbm>> -> memref<64x1024xf32, #tpu.memory_space<hbm>>
      %dma_wait3A_312 = arith.constant 0 : i32
      %dma_wait3A_313 = arith.constant 0 : i32
      %dma_wait3A_314 = tpu.memref_slice %arg3[%dma_wait3A_309, %dma_wait3A_312, %dma_wait3A_313] : memref<4x64x1024xf32, #tpu.memory_space<vmem_shared>> -> memref<1x64x1024xf32, #tpu.memory_space<vmem_shared>>
      %dma_wait3A_315 = tpu.memref_squeeze %dma_wait3A_314 : memref<1x64x1024xf32, #tpu.memory_space<vmem_shared>> -> memref<64x1024xf32, #tpu.memory_space<vmem_shared>>
      tpu.wait_dma2 semaphore(%run_scoped3A_0 : memref<!tpu.dma_semaphore, #tpu.memory_space<semaphore_mem>>) src(%dma_wait3A_315 : memref<64x1024xf32, #tpu.memory_space<vmem_shared>>) dst(%dma_wait3A_311 : memref<64x1024xf32, #tpu.memory_space<hbm>>)
      %add3A_316 = arith.constant 704 : i32
      %add3A_317 = arith.addi %add3A_2, %add3A_316 : i32
      %dma_start3A_318 = arith.constant 3 : i32
      %dma_start3A_319 = arith.constant 0 : i32
      %dma_start3A_320 = arith.constant 0 : i32
      %dma_start3A_321 = tpu.memref_slice %arg3[%dma_start3A_318, %dma_start3A_319, %dma_start3A_320] : memref<4x64x1024xf32, #tpu.memory_space<vmem_shared>> -> memref<1x64x1024xf32, #tpu.memory_space<vmem_shared>>
      %dma_start3A_322 = tpu.memref_squeeze %dma_start3A_321 : memref<1x64x1024xf32, #tpu.memory_space<vmem_shared>> -> memref<64x1024xf32, #tpu.memory_space<vmem_shared>>
      %dma_start3A_323 = arith.constant 0 : i32
      %dma_start3A_324 = tpu.memref_slice %arg1[%add3A_317, %dma_start3A_323] : memref<8192x1024xf32, #tpu.memory_space<hbm>> -> memref<64x1024xf32, #tpu.memory_space<hbm>>
      tpu.enqueue_dma source(%dma_start3A_324 : memref<64x1024xf32, #tpu.memory_space<hbm>>) target(%dma_start3A_322 : memref<64x1024xf32, #tpu.memory_space<vmem_shared>>) target_semaphore(%run_scoped3A : memref<!tpu.dma_semaphore, #tpu.memory_space<semaphore_mem>>)
      %dma_wait3A_325 = arith.constant 2 : i32
      %dma_wait3A_326 = arith.constant 0 : i32
      %dma_wait3A_327 = arith.constant 0 : i32
      %dma_wait3A_328 = tpu.memref_slice %arg3[%dma_wait3A_325, %dma_wait3A_326, %dma_wait3A_327] : memref<4x64x1024xf32, #tpu.memory_space<vmem_shared>> -> memref<1x64x1024xf32, #tpu.memory_space<vmem_shared>>
      %dma_wait3A_329 = tpu.memref_squeeze %dma_wait3A_328 : memref<1x64x1024xf32, #tpu.memory_space<vmem_shared>> -> memref<64x1024xf32, #tpu.memory_space<vmem_shared>>
      %dma_wait3A_330 = arith.constant 0 : i32
      %dma_wait3A_331 = tpu.memref_slice %arg1[%add3A_285, %dma_wait3A_330] : memref<8192x1024xf32, #tpu.memory_space<hbm>> -> memref<64x1024xf32, #tpu.memory_space<hbm>>
      tpu.wait_dma2 semaphore(%run_scoped3A : memref<!tpu.dma_semaphore, #tpu.memory_space<semaphore_mem>>) src(%dma_wait3A_331 : memref<64x1024xf32, #tpu.memory_space<hbm>>) dst(%dma_wait3A_329 : memref<64x1024xf32, #tpu.memory_space<vmem_shared>>)
      %add3A_332 = arith.constant 640 : i32
      %add3A_333 = arith.addi %add3A_2, %add3A_332 : i32
      %dma_start3A_334 = arith.constant 2 : i32
      %dma_start3A_335 = arith.constant 0 : i32
      %dma_start3A_336 = tpu.memref_slice %arg2[%add3A_333, %dma_start3A_335] : memref<8192x1024xf32, #tpu.memory_space<hbm>> -> memref<64x1024xf32, #tpu.memory_space<hbm>>
      %dma_start3A_337 = arith.constant 0 : i32
      %dma_start3A_338 = arith.constant 0 : i32
      %dma_start3A_339 = tpu.memref_slice %arg3[%dma_start3A_334, %dma_start3A_337, %dma_start3A_338] : memref<4x64x1024xf32, #tpu.memory_space<vmem_shared>> -> memref<1x64x1024xf32, #tpu.memory_space<vmem_shared>>
      %dma_start3A_340 = tpu.memref_squeeze %dma_start3A_339 : memref<1x64x1024xf32, #tpu.memory_space<vmem_shared>> -> memref<64x1024xf32, #tpu.memory_space<vmem_shared>>
      tpu.enqueue_dma source(%dma_start3A_340 : memref<64x1024xf32, #tpu.memory_space<vmem_shared>>) target(%dma_start3A_336 : memref<64x1024xf32, #tpu.memory_space<hbm>>) target_semaphore(%run_scoped3A_0 : memref<!tpu.dma_semaphore, #tpu.memory_space<semaphore_mem>>)
      %dma_wait3A_341 = arith.constant 0 : i32
      %dma_wait3A_342 = arith.constant 0 : i32
      %dma_wait3A_343 = tpu.memref_slice %arg2[%add3A_269, %dma_wait3A_342] : memref<8192x1024xf32, #tpu.memory_space<hbm>> -> memref<64x1024xf32, #tpu.memory_space<hbm>>
      %dma_wait3A_344 = arith.constant 0 : i32
      %dma_wait3A_345 = arith.constant 0 : i32
      %dma_wait3A_346 = tpu.memref_slice %arg3[%dma_wait3A_341, %dma_wait3A_344, %dma_wait3A_345] : memref<4x64x1024xf32, #tpu.memory_space<vmem_shared>> -> memref<1x64x1024xf32, #tpu.memory_space<vmem_shared>>
      %dma_wait3A_347 = tpu.memref_squeeze %dma_wait3A_346 : memref<1x64x1024xf32, #tpu.memory_space<vmem_shared>> -> memref<64x1024xf32, #tpu.memory_space<vmem_shared>>
      tpu.wait_dma2 semaphore(%run_scoped3A_0 : memref<!tpu.dma_semaphore, #tpu.memory_space<semaphore_mem>>) src(%dma_wait3A_347 : memref<64x1024xf32, #tpu.memory_space<vmem_shared>>) dst(%dma_wait3A_343 : memref<64x1024xf32, #tpu.memory_space<hbm>>)
      %add3A_348 = arith.constant 768 : i32
      %add3A_349 = arith.addi %add3A_2, %add3A_348 : i32
      %dma_start3A_350 = arith.constant 0 : i32
      %dma_start3A_351 = arith.constant 0 : i32
      %dma_start3A_352 = arith.constant 0 : i32
      %dma_start3A_353 = tpu.memref_slice %arg3[%dma_start3A_350, %dma_start3A_351, %dma_start3A_352] : memref<4x64x1024xf32, #tpu.memory_space<vmem_shared>> -> memref<1x64x1024xf32, #tpu.memory_space<vmem_shared>>
      %dma_start3A_354 = tpu.memref_squeeze %dma_start3A_353 : memref<1x64x1024xf32, #tpu.memory_space<vmem_shared>> -> memref<64x1024xf32, #tpu.memory_space<vmem_shared>>
      %dma_start3A_355 = arith.constant 0 : i32
      %dma_start3A_356 = tpu.memref_slice %arg1[%add3A_349, %dma_start3A_355] : memref<8192x1024xf32, #tpu.memory_space<hbm>> -> memref<64x1024xf32, #tpu.memory_space<hbm>>
      tpu.enqueue_dma source(%dma_start3A_356 : memref<64x1024xf32, #tpu.memory_space<hbm>>) target(%dma_start3A_354 : memref<64x1024xf32, #tpu.memory_space<vmem_shared>>) target_semaphore(%run_scoped3A : memref<!tpu.dma_semaphore, #tpu.memory_space<semaphore_mem>>)
      %dma_wait3A_357 = arith.constant 3 : i32
      %dma_wait3A_358 = arith.constant 0 : i32
      %dma_wait3A_359 = arith.constant 0 : i32
      %dma_wait3A_360 = tpu.memref_slice %arg3[%dma_wait3A_357, %dma_wait3A_358, %dma_wait3A_359] : memref<4x64x1024xf32, #tpu.memory_space<vmem_shared>> -> memref<1x64x1024xf32, #tpu.memory_space<vmem_shared>>
      %dma_wait3A_361 = tpu.memref_squeeze %dma_wait3A_360 : memref<1x64x1024xf32, #tpu.memory_space<vmem_shared>> -> memref<64x1024xf32, #tpu.memory_space<vmem_shared>>
      %dma_wait3A_362 = arith.constant 0 : i32
      %dma_wait3A_363 = tpu.memref_slice %arg1[%add3A_317, %dma_wait3A_362] : memref<8192x1024xf32, #tpu.memory_space<hbm>> -> memref<64x1024xf32, #tpu.memory_space<hbm>>
      tpu.wait_dma2 semaphore(%run_scoped3A : memref<!tpu.dma_semaphore, #tpu.memory_space<semaphore_mem>>) src(%dma_wait3A_363 : memref<64x1024xf32, #tpu.memory_space<hbm>>) dst(%dma_wait3A_361 : memref<64x1024xf32, #tpu.memory_space<vmem_shared>>)
      %add3A_364 = arith.constant 704 : i32
      %add3A_365 = arith.addi %add3A_2, %add3A_364 : i32
      %dma_start3A_366 = arith.constant 3 : i32
      %dma_start3A_367 = arith.constant 0 : i32
      %dma_start3A_368 = tpu.memref_slice %arg2[%add3A_365, %dma_start3A_367] : memref<8192x1024xf32, #tpu.memory_space<hbm>> -> memref<64x1024xf32, #tpu.memory_space<hbm>>
      %dma_start3A_369 = arith.constant 0 : i32
      %dma_start3A_370 = arith.constant 0 : i32
      %dma_start3A_371 = tpu.memref_slice %arg3[%dma_start3A_366, %dma_start3A_369, %dma_start3A_370] : memref<4x64x1024xf32, #tpu.memory_space<vmem_shared>> -> memref<1x64x1024xf32, #tpu.memory_space<vmem_shared>>
      %dma_start3A_372 = tpu.memref_squeeze %dma_start3A_371 : memref<1x64x1024xf32, #tpu.memory_space<vmem_shared>> -> memref<64x1024xf32, #tpu.memory_space<vmem_shared>>
      tpu.enqueue_dma source(%dma_start3A_372 : memref<64x1024xf32, #tpu.memory_space<vmem_shared>>) target(%dma_start3A_368 : memref<64x1024xf32, #tpu.memory_space<hbm>>) target_semaphore(%run_scoped3A_0 : memref<!tpu.dma_semaphore, #tpu.memory_space<semaphore_mem>>)
      %dma_wait3A_373 = arith.constant 1 : i32
      %dma_wait3A_374 = arith.constant 0 : i32
      %dma_wait3A_375 = tpu.memref_slice %arg2[%add3A_301, %dma_wait3A_374] : memref<8192x1024xf32, #tpu.memory_space<hbm>> -> memref<64x1024xf32, #tpu.memory_space<hbm>>
      %dma_wait3A_376 = arith.constant 0 : i32
      %dma_wait3A_377 = arith.constant 0 : i32
      %dma_wait3A_378 = tpu.memref_slice %arg3[%dma_wait3A_373, %dma_wait3A_376, %dma_wait3A_377] : memref<4x64x1024xf32, #tpu.memory_space<vmem_shared>> -> memref<1x64x1024xf32, #tpu.memory_space<vmem_shared>>
      %dma_wait3A_379 = tpu.memref_squeeze %dma_wait3A_378 : memref<1x64x1024xf32, #tpu.memory_space<vmem_shared>> -> memref<64x1024xf32, #tpu.memory_space<vmem_shared>>
      tpu.wait_dma2 semaphore(%run_scoped3A_0 : memref<!tpu.dma_semaphore, #tpu.memory_space<semaphore_mem>>) src(%dma_wait3A_379 : memref<64x1024xf32, #tpu.memory_space<vmem_shared>>) dst(%dma_wait3A_375 : memref<64x1024xf32, #tpu.memory_space<hbm>>)
      %add3A_380 = arith.constant 832 : i32
      %add3A_381 = arith.addi %add3A_2, %add3A_380 : i32
      %dma_start3A_382 = arith.constant 1 : i32
      %dma_start3A_383 = arith.constant 0 : i32
      %dma_start3A_384 = arith.constant 0 : i32
      %dma_start3A_385 = tpu.memref_slice %arg3[%dma_start3A_382, %dma_start3A_383, %dma_start3A_384] : memref<4x64x1024xf32, #tpu.memory_space<vmem_shared>> -> memref<1x64x1024xf32, #tpu.memory_space<vmem_shared>>
      %dma_start3A_386 = tpu.memref_squeeze %dma_start3A_385 : memref<1x64x1024xf32, #tpu.memory_space<vmem_shared>> -> memref<64x1024xf32, #tpu.memory_space<vmem_shared>>
      %dma_start3A_387 = arith.constant 0 : i32
      %dma_start3A_388 = tpu.memref_slice %arg1[%add3A_381, %dma_start3A_387] : memref<8192x1024xf32, #tpu.memory_space<hbm>> -> memref<64x1024xf32, #tpu.memory_space<hbm>>
      tpu.enqueue_dma source(%dma_start3A_388 : memref<64x1024xf32, #tpu.memory_space<hbm>>) target(%dma_start3A_386 : memref<64x1024xf32, #tpu.memory_space<vmem_shared>>) target_semaphore(%run_scoped3A : memref<!tpu.dma_semaphore, #tpu.memory_space<semaphore_mem>>)
      %dma_wait3A_389 = arith.constant 0 : i32
      %dma_wait3A_390 = arith.constant 0 : i32
      %dma_wait3A_391 = arith.constant 0 : i32
      %dma_wait3A_392 = tpu.memref_slice %arg3[%dma_wait3A_389, %dma_wait3A_390, %dma_wait3A_391] : memref<4x64x1024xf32, #tpu.memory_space<vmem_shared>> -> memref<1x64x1024xf32, #tpu.memory_space<vmem_shared>>
      %dma_wait3A_393 = tpu.memref_squeeze %dma_wait3A_392 : memref<1x64x1024xf32, #tpu.memory_space<vmem_shared>> -> memref<64x1024xf32, #tpu.memory_space<vmem_shared>>
      %dma_wait3A_394 = arith.constant 0 : i32
      %dma_wait3A_395 = tpu.memref_slice %arg1[%add3A_349, %dma_wait3A_394] : memref<8192x1024xf32, #tpu.memory_space<hbm>> -> memref<64x1024xf32, #tpu.memory_space<hbm>>
      tpu.wait_dma2 semaphore(%run_scoped3A : memref<!tpu.dma_semaphore, #tpu.memory_space<semaphore_mem>>) src(%dma_wait3A_395 : memref<64x1024xf32, #tpu.memory_space<hbm>>) dst(%dma_wait3A_393 : memref<64x1024xf32, #tpu.memory_space<vmem_shared>>)
      %add3A_396 = arith.constant 768 : i32
      %add3A_397 = arith.addi %add3A_2, %add3A_396 : i32
      %dma_start3A_398 = arith.constant 0 : i32
      %dma_start3A_399 = arith.constant 0 : i32
      %dma_start3A_400 = tpu.memref_slice %arg2[%add3A_397, %dma_start3A_399] : memref<8192x1024xf32, #tpu.memory_space<hbm>> -> memref<64x1024xf32, #tpu.memory_space<hbm>>
      %dma_start3A_401 = arith.constant 0 : i32
      %dma_start3A_402 = arith.constant 0 : i32
      %dma_start3A_403 = tpu.memref_slice %arg3[%dma_start3A_398, %dma_start3A_401, %dma_start3A_402] : memref<4x64x1024xf32, #tpu.memory_space<vmem_shared>> -> memref<1x64x1024xf32, #tpu.memory_space<vmem_shared>>
      %dma_start3A_404 = tpu.memref_squeeze %dma_start3A_403 : memref<1x64x1024xf32, #tpu.memory_space<vmem_shared>> -> memref<64x1024xf32, #tpu.memory_space<vmem_shared>>
      tpu.enqueue_dma source(%dma_start3A_404 : memref<64x1024xf32, #tpu.memory_space<vmem_shared>>) target(%dma_start3A_400 : memref<64x1024xf32, #tpu.memory_space<hbm>>) target_semaphore(%run_scoped3A_0 : memref<!tpu.dma_semaphore, #tpu.memory_space<semaphore_mem>>)
      %dma_wait3A_405 = arith.constant 2 : i32
      %dma_wait3A_406 = arith.constant 0 : i32
      %dma_wait3A_407 = tpu.memref_slice %arg2[%add3A_333, %dma_wait3A_406] : memref<8192x1024xf32, #tpu.memory_space<hbm>> -> memref<64x1024xf32, #tpu.memory_space<hbm>>
      %dma_wait3A_408 = arith.constant 0 : i32
      %dma_wait3A_409 = arith.constant 0 : i32
      %dma_wait3A_410 = tpu.memref_slice %arg3[%dma_wait3A_405, %dma_wait3A_408, %dma_wait3A_409] : memref<4x64x1024xf32, #tpu.memory_space<vmem_shared>> -> memref<1x64x1024xf32, #tpu.memory_space<vmem_shared>>
      %dma_wait3A_411 = tpu.memref_squeeze %dma_wait3A_410 : memref<1x64x1024xf32, #tpu.memory_space<vmem_shared>> -> memref<64x1024xf32, #tpu.memory_space<vmem_shared>>
      tpu.wait_dma2 semaphore(%run_scoped3A_0 : memref<!tpu.dma_semaphore, #tpu.memory_space<semaphore_mem>>) src(%dma_wait3A_411 : memref<64x1024xf32, #tpu.memory_space<vmem_shared>>) dst(%dma_wait3A_407 : memref<64x1024xf32, #tpu.memory_space<hbm>>)
      %add3A_412 = arith.constant 896 : i32
      %add3A_413 = arith.addi %add3A_2, %add3A_412 : i32
      %dma_start3A_414 = arith.constant 2 : i32
      %dma_start3A_415 = arith.constant 0 : i32
      %dma_start3A_416 = arith.constant 0 : i32
      %dma_start3A_417 = tpu.memref_slice %arg3[%dma_start3A_414, %dma_start3A_415, %dma_start3A_416] : memref<4x64x1024xf32, #tpu.memory_space<vmem_shared>> -> memref<1x64x1024xf32, #tpu.memory_space<vmem_shared>>
      %dma_start3A_418 = tpu.memref_squeeze %dma_start3A_417 : memref<1x64x1024xf32, #tpu.memory_space<vmem_shared>> -> memref<64x1024xf32, #tpu.memory_space<vmem_shared>>
      %dma_start3A_419 = arith.constant 0 : i32
      %dma_start3A_420 = tpu.memref_slice %arg1[%add3A_413, %dma_start3A_419] : memref<8192x1024xf32, #tpu.memory_space<hbm>> -> memref<64x1024xf32, #tpu.memory_space<hbm>>
      tpu.enqueue_dma source(%dma_start3A_420 : memref<64x1024xf32, #tpu.memory_space<hbm>>) target(%dma_start3A_418 : memref<64x1024xf32, #tpu.memory_space<vmem_shared>>) target_semaphore(%run_scoped3A : memref<!tpu.dma_semaphore, #tpu.memory_space<semaphore_mem>>)
      %dma_wait3A_421 = arith.constant 1 : i32
      %dma_wait3A_422 = arith.constant 0 : i32
      %dma_wait3A_423 = arith.constant 0 : i32
      %dma_wait3A_424 = tpu.memref_slice %arg3[%dma_wait3A_421, %dma_wait3A_422, %dma_wait3A_423] : memref<4x64x1024xf32, #tpu.memory_space<vmem_shared>> -> memref<1x64x1024xf32, #tpu.memory_space<vmem_shared>>
      %dma_wait3A_425 = tpu.memref_squeeze %dma_wait3A_424 : memref<1x64x1024xf32, #tpu.memory_space<vmem_shared>> -> memref<64x1024xf32, #tpu.memory_space<vmem_shared>>
      %dma_wait3A_426 = arith.constant 0 : i32
      %dma_wait3A_427 = tpu.memref_slice %arg1[%add3A_381, %dma_wait3A_426] : memref<8192x1024xf32, #tpu.memory_space<hbm>> -> memref<64x1024xf32, #tpu.memory_space<hbm>>
      tpu.wait_dma2 semaphore(%run_scoped3A : memref<!tpu.dma_semaphore, #tpu.memory_space<semaphore_mem>>) src(%dma_wait3A_427 : memref<64x1024xf32, #tpu.memory_space<hbm>>) dst(%dma_wait3A_425 : memref<64x1024xf32, #tpu.memory_space<vmem_shared>>)
      %add3A_428 = arith.constant 832 : i32
      %add3A_429 = arith.addi %add3A_2, %add3A_428 : i32
      %dma_start3A_430 = arith.constant 1 : i32
      %dma_start3A_431 = arith.constant 0 : i32
      %dma_start3A_432 = tpu.memref_slice %arg2[%add3A_429, %dma_start3A_431] : memref<8192x1024xf32, #tpu.memory_space<hbm>> -> memref<64x1024xf32, #tpu.memory_space<hbm>>
      %dma_start3A_433 = arith.constant 0 : i32
      %dma_start3A_434 = arith.constant 0 : i32
      %dma_start3A_435 = tpu.memref_slice %arg3[%dma_start3A_430, %dma_start3A_433, %dma_start3A_434] : memref<4x64x1024xf32, #tpu.memory_space<vmem_shared>> -> memref<1x64x1024xf32, #tpu.memory_space<vmem_shared>>
      %dma_start3A_436 = tpu.memref_squeeze %dma_start3A_435 : memref<1x64x1024xf32, #tpu.memory_space<vmem_shared>> -> memref<64x1024xf32, #tpu.memory_space<vmem_shared>>
      tpu.enqueue_dma source(%dma_start3A_436 : memref<64x1024xf32, #tpu.memory_space<vmem_shared>>) target(%dma_start3A_432 : memref<64x1024xf32, #tpu.memory_space<hbm>>) target_semaphore(%run_scoped3A_0 : memref<!tpu.dma_semaphore, #tpu.memory_space<semaphore_mem>>)
      %dma_wait3A_437 = arith.constant 3 : i32
      %dma_wait3A_438 = arith.constant 0 : i32
      %dma_wait3A_439 = tpu.memref_slice %arg2[%add3A_365, %dma_wait3A_438] : memref<8192x1024xf32, #tpu.memory_space<hbm>> -> memref<64x1024xf32, #tpu.memory_space<hbm>>
      %dma_wait3A_440 = arith.constant 0 : i32
      %dma_wait3A_441 = arith.constant 0 : i32
      %dma_wait3A_442 = tpu.memref_slice %arg3[%dma_wait3A_437, %dma_wait3A_440, %dma_wait3A_441] : memref<4x64x1024xf32, #tpu.memory_space<vmem_shared>> -> memref<1x64x1024xf32, #tpu.memory_space<vmem_shared>>
      %dma_wait3A_443 = tpu.memref_squeeze %dma_wait3A_442 : memref<1x64x1024xf32, #tpu.memory_space<vmem_shared>> -> memref<64x1024xf32, #tpu.memory_space<vmem_shared>>
      tpu.wait_dma2 semaphore(%run_scoped3A_0 : memref<!tpu.dma_semaphore, #tpu.memory_space<semaphore_mem>>) src(%dma_wait3A_443 : memref<64x1024xf32, #tpu.memory_space<vmem_shared>>) dst(%dma_wait3A_439 : memref<64x1024xf32, #tpu.memory_space<hbm>>)
      %add3A_444 = arith.constant 960 : i32
      %add3A_445 = arith.addi %add3A_2, %add3A_444 : i32
      %dma_start3A_446 = arith.constant 3 : i32
      %dma_start3A_447 = arith.constant 0 : i32
      %dma_start3A_448 = arith.constant 0 : i32
      %dma_start3A_449 = tpu.memref_slice %arg3[%dma_start3A_446, %dma_start3A_447, %dma_start3A_448] : memref<4x64x1024xf32, #tpu.memory_space<vmem_shared>> -> memref<1x64x1024xf32, #tpu.memory_space<vmem_shared>>
      %dma_start3A_450 = tpu.memref_squeeze %dma_start3A_449 : memref<1x64x1024xf32, #tpu.memory_space<vmem_shared>> -> memref<64x1024xf32, #tpu.memory_space<vmem_shared>>
      %dma_start3A_451 = arith.constant 0 : i32
      %dma_start3A_452 = tpu.memref_slice %arg1[%add3A_445, %dma_start3A_451] : memref<8192x1024xf32, #tpu.memory_space<hbm>> -> memref<64x1024xf32, #tpu.memory_space<hbm>>
      tpu.enqueue_dma source(%dma_start3A_452 : memref<64x1024xf32, #tpu.memory_space<hbm>>) target(%dma_start3A_450 : memref<64x1024xf32, #tpu.memory_space<vmem_shared>>) target_semaphore(%run_scoped3A : memref<!tpu.dma_semaphore, #tpu.memory_space<semaphore_mem>>)
      %dma_wait3A_453 = arith.constant 2 : i32
      %dma_wait3A_454 = arith.constant 0 : i32
      %dma_wait3A_455 = arith.constant 0 : i32
      %dma_wait3A_456 = tpu.memref_slice %arg3[%dma_wait3A_453, %dma_wait3A_454, %dma_wait3A_455] : memref<4x64x1024xf32, #tpu.memory_space<vmem_shared>> -> memref<1x64x1024xf32, #tpu.memory_space<vmem_shared>>
      %dma_wait3A_457 = tpu.memref_squeeze %dma_wait3A_456 : memref<1x64x1024xf32, #tpu.memory_space<vmem_shared>> -> memref<64x1024xf32, #tpu.memory_space<vmem_shared>>
      %dma_wait3A_458 = arith.constant 0 : i32
      %dma_wait3A_459 = tpu.memref_slice %arg1[%add3A_413, %dma_wait3A_458] : memref<8192x1024xf32, #tpu.memory_space<hbm>> -> memref<64x1024xf32, #tpu.memory_space<hbm>>
      tpu.wait_dma2 semaphore(%run_scoped3A : memref<!tpu.dma_semaphore, #tpu.memory_space<semaphore_mem>>) src(%dma_wait3A_459 : memref<64x1024xf32, #tpu.memory_space<hbm>>) dst(%dma_wait3A_457 : memref<64x1024xf32, #tpu.memory_space<vmem_shared>>)
      %add3A_460 = arith.constant 896 : i32
      %add3A_461 = arith.addi %add3A_2, %add3A_460 : i32
      %dma_start3A_462 = arith.constant 2 : i32
      %dma_start3A_463 = arith.constant 0 : i32
      %dma_start3A_464 = tpu.memref_slice %arg2[%add3A_461, %dma_start3A_463] : memref<8192x1024xf32, #tpu.memory_space<hbm>> -> memref<64x1024xf32, #tpu.memory_space<hbm>>
      %dma_start3A_465 = arith.constant 0 : i32
      %dma_start3A_466 = arith.constant 0 : i32
      %dma_start3A_467 = tpu.memref_slice %arg3[%dma_start3A_462, %dma_start3A_465, %dma_start3A_466] : memref<4x64x1024xf32, #tpu.memory_space<vmem_shared>> -> memref<1x64x1024xf32, #tpu.memory_space<vmem_shared>>
      %dma_start3A_468 = tpu.memref_squeeze %dma_start3A_467 : memref<1x64x1024xf32, #tpu.memory_space<vmem_shared>> -> memref<64x1024xf32, #tpu.memory_space<vmem_shared>>
      tpu.enqueue_dma source(%dma_start3A_468 : memref<64x1024xf32, #tpu.memory_space<vmem_shared>>) target(%dma_start3A_464 : memref<64x1024xf32, #tpu.memory_space<hbm>>) target_semaphore(%run_scoped3A_0 : memref<!tpu.dma_semaphore, #tpu.memory_space<semaphore_mem>>)
      %dma_wait3A_469 = arith.constant 3 : i32
      %dma_wait3A_470 = arith.constant 0 : i32
      %dma_wait3A_471 = arith.constant 0 : i32
      %dma_wait3A_472 = tpu.memref_slice %arg3[%dma_wait3A_469, %dma_wait3A_470, %dma_wait3A_471] : memref<4x64x1024xf32, #tpu.memory_space<vmem_shared>> -> memref<1x64x1024xf32, #tpu.memory_space<vmem_shared>>
      %dma_wait3A_473 = tpu.memref_squeeze %dma_wait3A_472 : memref<1x64x1024xf32, #tpu.memory_space<vmem_shared>> -> memref<64x1024xf32, #tpu.memory_space<vmem_shared>>
      %dma_wait3A_474 = arith.constant 0 : i32
      %dma_wait3A_475 = tpu.memref_slice %arg1[%add3A_445, %dma_wait3A_474] : memref<8192x1024xf32, #tpu.memory_space<hbm>> -> memref<64x1024xf32, #tpu.memory_space<hbm>>
      tpu.wait_dma2 semaphore(%run_scoped3A : memref<!tpu.dma_semaphore, #tpu.memory_space<semaphore_mem>>) src(%dma_wait3A_475 : memref<64x1024xf32, #tpu.memory_space<hbm>>) dst(%dma_wait3A_473 : memref<64x1024xf32, #tpu.memory_space<vmem_shared>>)
      %add3A_476 = arith.constant 960 : i32
      %add3A_477 = arith.addi %add3A_2, %add3A_476 : i32
      %dma_start3A_478 = arith.constant 3 : i32
      %dma_start3A_479 = arith.constant 0 : i32
      %dma_start3A_480 = tpu.memref_slice %arg2[%add3A_477, %dma_start3A_479] : memref<8192x1024xf32, #tpu.memory_space<hbm>> -> memref<64x1024xf32, #tpu.memory_space<hbm>>
      %dma_start3A_481 = arith.constant 0 : i32
      %dma_start3A_482 = arith.constant 0 : i32
      %dma_start3A_483 = tpu.memref_slice %arg3[%dma_start3A_478, %dma_start3A_481, %dma_start3A_482] : memref<4x64x1024xf32, #tpu.memory_space<vmem_shared>> -> memref<1x64x1024xf32, #tpu.memory_space<vmem_shared>>
      %dma_start3A_484 = tpu.memref_squeeze %dma_start3A_483 : memref<1x64x1024xf32, #tpu.memory_space<vmem_shared>> -> memref<64x1024xf32, #tpu.memory_space<vmem_shared>>
      tpu.enqueue_dma source(%dma_start3A_484 : memref<64x1024xf32, #tpu.memory_space<vmem_shared>>) target(%dma_start3A_480 : memref<64x1024xf32, #tpu.memory_space<hbm>>) target_semaphore(%run_scoped3A_0 : memref<!tpu.dma_semaphore, #tpu.memory_space<semaphore_mem>>)
      %dma_wait3A_485 = arith.constant 0 : i32
      %dma_wait3A_486 = arith.constant 0 : i32
      %dma_wait3A_487 = tpu.memref_slice %arg2[%add3A_397, %dma_wait3A_486] : memref<8192x1024xf32, #tpu.memory_space<hbm>> -> memref<64x1024xf32, #tpu.memory_space<hbm>>
      %dma_wait3A_488 = arith.constant 0 : i32
      %dma_wait3A_489 = arith.constant 0 : i32
      %dma_wait3A_490 = tpu.memref_slice %arg3[%dma_wait3A_485, %dma_wait3A_488, %dma_wait3A_489] : memref<4x64x1024xf32, #tpu.memory_space<vmem_shared>> -> memref<1x64x1024xf32, #tpu.memory_space<vmem_shared>>
      %dma_wait3A_491 = tpu.memref_squeeze %dma_wait3A_490 : memref<1x64x1024xf32, #tpu.memory_space<vmem_shared>> -> memref<64x1024xf32, #tpu.memory_space<vmem_shared>>
      tpu.wait_dma2 semaphore(%run_scoped3A_0 : memref<!tpu.dma_semaphore, #tpu.memory_space<semaphore_mem>>) src(%dma_wait3A_491 : memref<64x1024xf32, #tpu.memory_space<vmem_shared>>) dst(%dma_wait3A_487 : memref<64x1024xf32, #tpu.memory_space<hbm>>)
      %dma_wait3A_492 = arith.constant 1 : i32
      %dma_wait3A_493 = arith.constant 0 : i32
      %dma_wait3A_494 = tpu.memref_slice %arg2[%add3A_429, %dma_wait3A_493] : memref<8192x1024xf32, #tpu.memory_space<hbm>> -> memref<64x1024xf32, #tpu.memory_space<hbm>>
      %dma_wait3A_495 = arith.constant 0 : i32
      %dma_wait3A_496 = arith.constant 0 : i32
      %dma_wait3A_497 = tpu.memref_slice %arg3[%dma_wait3A_492, %dma_wait3A_495, %dma_wait3A_496] : memref<4x64x1024xf32, #tpu.memory_space<vmem_shared>> -> memref<1x64x1024xf32, #tpu.memory_space<vmem_shared>>
      %dma_wait3A_498 = tpu.memref_squeeze %dma_wait3A_497 : memref<1x64x1024xf32, #tpu.memory_space<vmem_shared>> -> memref<64x1024xf32, #tpu.memory_space<vmem_shared>>
      tpu.wait_dma2 semaphore(%run_scoped3A_0 : memref<!tpu.dma_semaphore, #tpu.memory_space<semaphore_mem>>) src(%dma_wait3A_498 : memref<64x1024xf32, #tpu.memory_space<vmem_shared>>) dst(%dma_wait3A_494 : memref<64x1024xf32, #tpu.memory_space<hbm>>)
      %dma_wait3A_499 = arith.constant 2 : i32
      %dma_wait3A_500 = arith.constant 0 : i32
      %dma_wait3A_501 = tpu.memref_slice %arg2[%add3A_461, %dma_wait3A_500] : memref<8192x1024xf32, #tpu.memory_space<hbm>> -> memref<64x1024xf32, #tpu.memory_space<hbm>>
      %dma_wait3A_502 = arith.constant 0 : i32
      %dma_wait3A_503 = arith.constant 0 : i32
      %dma_wait3A_504 = tpu.memref_slice %arg3[%dma_wait3A_499, %dma_wait3A_502, %dma_wait3A_503] : memref<4x64x1024xf32, #tpu.memory_space<vmem_shared>> -> memref<1x64x1024xf32, #tpu.memory_space<vmem_shared>>
      %dma_wait3A_505 = tpu.memref_squeeze %dma_wait3A_504 : memref<1x64x1024xf32, #tpu.memory_space<vmem_shared>> -> memref<64x1024xf32, #tpu.memory_space<vmem_shared>>
      tpu.wait_dma2 semaphore(%run_scoped3A_0 : memref<!tpu.dma_semaphore, #tpu.memory_space<semaphore_mem>>) src(%dma_wait3A_505 : memref<64x1024xf32, #tpu.memory_space<vmem_shared>>) dst(%dma_wait3A_501 : memref<64x1024xf32, #tpu.memory_space<hbm>>)
      %dma_wait3A_506 = arith.constant 3 : i32
      %dma_wait3A_507 = arith.constant 0 : i32
      %dma_wait3A_508 = tpu.memref_slice %arg2[%add3A_477, %dma_wait3A_507] : memref<8192x1024xf32, #tpu.memory_space<hbm>> -> memref<64x1024xf32, #tpu.memory_space<hbm>>
      %dma_wait3A_509 = arith.constant 0 : i32
      %dma_wait3A_510 = arith.constant 0 : i32
      %dma_wait3A_511 = tpu.memref_slice %arg3[%dma_wait3A_506, %dma_wait3A_509, %dma_wait3A_510] : memref<4x64x1024xf32, #tpu.memory_space<vmem_shared>> -> memref<1x64x1024xf32, #tpu.memory_space<vmem_shared>>
      %dma_wait3A_512 = tpu.memref_squeeze %dma_wait3A_511 : memref<1x64x1024xf32, #tpu.memory_space<vmem_shared>> -> memref<64x1024xf32, #tpu.memory_space<vmem_shared>>
      tpu.wait_dma2 semaphore(%run_scoped3A_0 : memref<!tpu.dma_semaphore, #tpu.memory_space<semaphore_mem>>) src(%dma_wait3A_512 : memref<64x1024xf32, #tpu.memory_space<vmem_shared>>) dst(%dma_wait3A_508 : memref<64x1024xf32, #tpu.memory_space<hbm>>)
      tpu.yield
    }) : () -> ()
    return
  }
  func.func @_tec_fn(%arg0: i32, %arg1: i32, %arg2: memref<8192x1024xf32, #tpu.memory_space<hbm>>, %arg3: memref<8192x1024xf32, #tpu.memory_space<hbm>>, %arg4: memref<4x64x1024xf32, #tpu.memory_space<vmem_shared>>) attributes {dimension_semantics = [#tpu.dimension_semantics<core_parallel>, #tpu.dimension_semantics<subcore_parallel>], iteration_bounds = array<i64: 2, 16>, scalar_prefetch = 0 : i64, scratch_operands = 1 : i64, tpu.core_type = #tpu.core_type<sc_vector_subcore>, window_params = [{transform_indices = #map1}, {transform_indices = #map1}]} {
    "tpu.region"() ({
      %run_scoped3A = memref.alloca() : memref<16x1024xf32, #tpu.memory_space<vmem>>
      %run_scoped3A_0 = memref.alloca() : memref<16x1024xf32, #tpu.memory_space<vmem>>
      %run_scoped3A_1 = memref.alloca() : memref<16x1024xf32, #tpu.memory_space<vmem>>
      %run_scoped3A_2 = memref.alloca() : memref<16x1024xf32, #tpu.memory_space<vmem>>
      %run_scoped3A_3 = memref.alloca() : memref<16x1024xf32, #tpu.memory_space<vmem>>
      %run_scoped3A_4 = memref.alloca() : memref<16x1024xf32, #tpu.memory_space<vmem>>
      %run_scoped3A_5 = tpu.sem_alloc : memref<!tpu.dma_semaphore, #tpu.memory_space<semaphore_mem>>
      %run_scoped3A_6 = tpu.sem_alloc : memref<!tpu.dma_semaphore, #tpu.memory_space<semaphore_mem>>
      %mul3A = arith.constant 2 : i32
      %mul3A_7 = arith.muli %arg1, %mul3A : i32
      %add3A = arith.addi %mul3A_7, %arg0 : i32
      %mul3A_8 = arith.constant 192 : i32
      %mul3A_9 = arith.muli %add3A, %mul3A_8 : i32
      %add3A_10 = arith.constant 0 : i32
      %add3A_11 = arith.addi %mul3A_9, %add3A_10 : i32
      %dma_start3A = arith.constant 0 : i32
      %dma_start3A_12 = tpu.memref_slice %arg2[%add3A_11, %dma_start3A] : memref<8192x1024xf32, #tpu.memory_space<hbm>> -> memref<16x1024xf32, #tpu.memory_space<hbm>>
      %dma_start3A_13 = arith.constant 0 : i32
      %dma_start3A_14 = tpu.memref_slice %arg2[%add3A_11, %dma_start3A_13] : memref<8192x1024xf32, #tpu.memory_space<hbm>> -> memref<16x1024xf32, #tpu.memory_space<hbm>>
      tpu.enqueue_dma source(%dma_start3A_14 : memref<16x1024xf32, #tpu.memory_space<hbm>>) target(%run_scoped3A : memref<16x1024xf32, #tpu.memory_space<vmem>>) target_semaphore(%run_scoped3A_5 : memref<!tpu.dma_semaphore, #tpu.memory_space<semaphore_mem>>)
      %add3A_15 = arith.constant 16 : i32
      %add3A_16 = arith.addi %mul3A_9, %add3A_15 : i32
      %dma_start3A_17 = arith.constant 0 : i32
      %dma_start3A_18 = tpu.memref_slice %arg2[%add3A_16, %dma_start3A_17] : memref<8192x1024xf32, #tpu.memory_space<hbm>> -> memref<16x1024xf32, #tpu.memory_space<hbm>>
      %dma_start3A_19 = arith.constant 0 : i32
      %dma_start3A_20 = tpu.memref_slice %arg2[%add3A_16, %dma_start3A_19] : memref<8192x1024xf32, #tpu.memory_space<hbm>> -> memref<16x1024xf32, #tpu.memory_space<hbm>>
      tpu.enqueue_dma source(%dma_start3A_20 : memref<16x1024xf32, #tpu.memory_space<hbm>>) target(%run_scoped3A_0 : memref<16x1024xf32, #tpu.memory_space<vmem>>) target_semaphore(%run_scoped3A_5 : memref<!tpu.dma_semaphore, #tpu.memory_space<semaphore_mem>>)
      %add3A_21 = arith.constant 32 : i32
      %add3A_22 = arith.addi %mul3A_9, %add3A_21 : i32
      %dma_start3A_23 = arith.constant 0 : i32
      %dma_start3A_24 = tpu.memref_slice %arg2[%add3A_22, %dma_start3A_23] : memref<8192x1024xf32, #tpu.memory_space<hbm>> -> memref<16x1024xf32, #tpu.memory_space<hbm>>
      %dma_start3A_25 = arith.constant 0 : i32
      %dma_start3A_26 = tpu.memref_slice %arg2[%add3A_22, %dma_start3A_25] : memref<8192x1024xf32, #tpu.memory_space<hbm>> -> memref<16x1024xf32, #tpu.memory_space<hbm>>
      tpu.enqueue_dma source(%dma_start3A_26 : memref<16x1024xf32, #tpu.memory_space<hbm>>) target(%run_scoped3A_1 : memref<16x1024xf32, #tpu.memory_space<vmem>>) target_semaphore(%run_scoped3A_5 : memref<!tpu.dma_semaphore, #tpu.memory_space<semaphore_mem>>)
      %add3A_27 = arith.constant 48 : i32
      %add3A_28 = arith.addi %mul3A_9, %add3A_27 : i32
      %dma_start3A_29 = arith.constant 0 : i32
      %dma_start3A_30 = tpu.memref_slice %arg2[%add3A_28, %dma_start3A_29] : memref<8192x1024xf32, #tpu.memory_space<hbm>> -> memref<16x1024xf32, #tpu.memory_space<hbm>>
      %dma_start3A_31 = arith.constant 0 : i32
      %dma_start3A_32 = tpu.memref_slice %arg2[%add3A_28, %dma_start3A_31] : memref<8192x1024xf32, #tpu.memory_space<hbm>> -> memref<16x1024xf32, #tpu.memory_space<hbm>>
      tpu.enqueue_dma source(%dma_start3A_32 : memref<16x1024xf32, #tpu.memory_space<hbm>>) target(%run_scoped3A_2 : memref<16x1024xf32, #tpu.memory_space<vmem>>) target_semaphore(%run_scoped3A_5 : memref<!tpu.dma_semaphore, #tpu.memory_space<semaphore_mem>>)
      %dma_wait3A = arith.constant 0 : i32
      %dma_wait3A_33 = tpu.memref_slice %arg2[%add3A_11, %dma_wait3A] : memref<8192x1024xf32, #tpu.memory_space<hbm>> -> memref<16x1024xf32, #tpu.memory_space<hbm>>
      %dma_wait3A_34 = arith.constant 0 : i32
      %dma_wait3A_35 = tpu.memref_slice %arg2[%add3A_11, %dma_wait3A_34] : memref<8192x1024xf32, #tpu.memory_space<hbm>> -> memref<16x1024xf32, #tpu.memory_space<hbm>>
      tpu.wait_dma2 semaphore(%run_scoped3A_5 : memref<!tpu.dma_semaphore, #tpu.memory_space<semaphore_mem>>) src(%dma_wait3A_35 : memref<16x1024xf32, #tpu.memory_space<hbm>>) dst(%run_scoped3A : memref<16x1024xf32, #tpu.memory_space<vmem>>)
      %add3A_36 = arith.constant 0 : i32
      %add3A_37 = arith.addi %mul3A_9, %add3A_36 : i32
      %dma_start3A_38 = arith.constant 0 : i32
      %dma_start3A_39 = tpu.memref_slice %arg3[%add3A_37, %dma_start3A_38] : memref<8192x1024xf32, #tpu.memory_space<hbm>> -> memref<16x1024xf32, #tpu.memory_space<hbm>>
      %dma_start3A_40 = arith.constant 0 : i32
      %dma_start3A_41 = tpu.memref_slice %arg3[%add3A_37, %dma_start3A_40] : memref<8192x1024xf32, #tpu.memory_space<hbm>> -> memref<16x1024xf32, #tpu.memory_space<hbm>>
      tpu.enqueue_dma source(%run_scoped3A : memref<16x1024xf32, #tpu.memory_space<vmem>>) target(%dma_start3A_41 : memref<16x1024xf32, #tpu.memory_space<hbm>>) target_semaphore(%run_scoped3A_6 : memref<!tpu.dma_semaphore, #tpu.memory_space<semaphore_mem>>)
      %add3A_42 = arith.constant 64 : i32
      %add3A_43 = arith.addi %mul3A_9, %add3A_42 : i32
      %dma_start3A_44 = arith.constant 0 : i32
      %dma_start3A_45 = tpu.memref_slice %arg2[%add3A_43, %dma_start3A_44] : memref<8192x1024xf32, #tpu.memory_space<hbm>> -> memref<16x1024xf32, #tpu.memory_space<hbm>>
      %dma_start3A_46 = arith.constant 0 : i32
      %dma_start3A_47 = tpu.memref_slice %arg2[%add3A_43, %dma_start3A_46] : memref<8192x1024xf32, #tpu.memory_space<hbm>> -> memref<16x1024xf32, #tpu.memory_space<hbm>>
      tpu.enqueue_dma source(%dma_start3A_47 : memref<16x1024xf32, #tpu.memory_space<hbm>>) target(%run_scoped3A_3 : memref<16x1024xf32, #tpu.memory_space<vmem>>) target_semaphore(%run_scoped3A_5 : memref<!tpu.dma_semaphore, #tpu.memory_space<semaphore_mem>>)
      %dma_wait3A_48 = arith.constant 0 : i32
      %dma_wait3A_49 = tpu.memref_slice %arg2[%add3A_16, %dma_wait3A_48] : memref<8192x1024xf32, #tpu.memory_space<hbm>> -> memref<16x1024xf32, #tpu.memory_space<hbm>>
      %dma_wait3A_50 = arith.constant 0 : i32
      %dma_wait3A_51 = tpu.memref_slice %arg2[%add3A_16, %dma_wait3A_50] : memref<8192x1024xf32, #tpu.memory_space<hbm>> -> memref<16x1024xf32, #tpu.memory_space<hbm>>
      tpu.wait_dma2 semaphore(%run_scoped3A_5 : memref<!tpu.dma_semaphore, #tpu.memory_space<semaphore_mem>>) src(%dma_wait3A_51 : memref<16x1024xf32, #tpu.memory_space<hbm>>) dst(%run_scoped3A_0 : memref<16x1024xf32, #tpu.memory_space<vmem>>)
      %add3A_52 = arith.constant 16 : i32
      %add3A_53 = arith.addi %mul3A_9, %add3A_52 : i32
      %dma_start3A_54 = arith.constant 0 : i32
      %dma_start3A_55 = tpu.memref_slice %arg3[%add3A_53, %dma_start3A_54] : memref<8192x1024xf32, #tpu.memory_space<hbm>> -> memref<16x1024xf32, #tpu.memory_space<hbm>>
      %dma_start3A_56 = arith.constant 0 : i32
      %dma_start3A_57 = tpu.memref_slice %arg3[%add3A_53, %dma_start3A_56] : memref<8192x1024xf32, #tpu.memory_space<hbm>> -> memref<16x1024xf32, #tpu.memory_space<hbm>>
      tpu.enqueue_dma source(%run_scoped3A_0 : memref<16x1024xf32, #tpu.memory_space<vmem>>) target(%dma_start3A_57 : memref<16x1024xf32, #tpu.memory_space<hbm>>) target_semaphore(%run_scoped3A_6 : memref<!tpu.dma_semaphore, #tpu.memory_space<semaphore_mem>>)
      %add3A_58 = arith.constant 80 : i32
      %add3A_59 = arith.addi %mul3A_9, %add3A_58 : i32
      %dma_start3A_60 = arith.constant 0 : i32
      %dma_start3A_61 = tpu.memref_slice %arg2[%add3A_59, %dma_start3A_60] : memref<8192x1024xf32, #tpu.memory_space<hbm>> -> memref<16x1024xf32, #tpu.memory_space<hbm>>
      %dma_start3A_62 = arith.constant 0 : i32
      %dma_start3A_63 = tpu.memref_slice %arg2[%add3A_59, %dma_start3A_62] : memref<8192x1024xf32, #tpu.memory_space<hbm>> -> memref<16x1024xf32, #tpu.memory_space<hbm>>
      tpu.enqueue_dma source(%dma_start3A_63 : memref<16x1024xf32, #tpu.memory_space<hbm>>) target(%run_scoped3A_4 : memref<16x1024xf32, #tpu.memory_space<vmem>>) target_semaphore(%run_scoped3A_5 : memref<!tpu.dma_semaphore, #tpu.memory_space<semaphore_mem>>)
      %dma_wait3A_64 = arith.constant 0 : i32
      %dma_wait3A_65 = tpu.memref_slice %arg2[%add3A_22, %dma_wait3A_64] : memref<8192x1024xf32, #tpu.memory_space<hbm>> -> memref<16x1024xf32, #tpu.memory_space<hbm>>
      %dma_wait3A_66 = arith.constant 0 : i32
      %dma_wait3A_67 = tpu.memref_slice %arg2[%add3A_22, %dma_wait3A_66] : memref<8192x1024xf32, #tpu.memory_space<hbm>> -> memref<16x1024xf32, #tpu.memory_space<hbm>>
      tpu.wait_dma2 semaphore(%run_scoped3A_5 : memref<!tpu.dma_semaphore, #tpu.memory_space<semaphore_mem>>) src(%dma_wait3A_67 : memref<16x1024xf32, #tpu.memory_space<hbm>>) dst(%run_scoped3A_1 : memref<16x1024xf32, #tpu.memory_space<vmem>>)
      %add3A_68 = arith.constant 32 : i32
      %add3A_69 = arith.addi %mul3A_9, %add3A_68 : i32
      %dma_start3A_70 = arith.constant 0 : i32
      %dma_start3A_71 = tpu.memref_slice %arg3[%add3A_69, %dma_start3A_70] : memref<8192x1024xf32, #tpu.memory_space<hbm>> -> memref<16x1024xf32, #tpu.memory_space<hbm>>
      %dma_start3A_72 = arith.constant 0 : i32
      %dma_start3A_73 = tpu.memref_slice %arg3[%add3A_69, %dma_start3A_72] : memref<8192x1024xf32, #tpu.memory_space<hbm>> -> memref<16x1024xf32, #tpu.memory_space<hbm>>
      tpu.enqueue_dma source(%run_scoped3A_1 : memref<16x1024xf32, #tpu.memory_space<vmem>>) target(%dma_start3A_73 : memref<16x1024xf32, #tpu.memory_space<hbm>>) target_semaphore(%run_scoped3A_6 : memref<!tpu.dma_semaphore, #tpu.memory_space<semaphore_mem>>)
      %dma_wait3A_74 = arith.constant 0 : i32
      %dma_wait3A_75 = tpu.memref_slice %arg3[%add3A_37, %dma_wait3A_74] : memref<8192x1024xf32, #tpu.memory_space<hbm>> -> memref<16x1024xf32, #tpu.memory_space<hbm>>
      %dma_wait3A_76 = arith.constant 0 : i32
      %dma_wait3A_77 = tpu.memref_slice %arg3[%add3A_37, %dma_wait3A_76] : memref<8192x1024xf32, #tpu.memory_space<hbm>> -> memref<16x1024xf32, #tpu.memory_space<hbm>>
      tpu.wait_dma2 semaphore(%run_scoped3A_6 : memref<!tpu.dma_semaphore, #tpu.memory_space<semaphore_mem>>) src(%run_scoped3A : memref<16x1024xf32, #tpu.memory_space<vmem>>) dst(%dma_wait3A_77 : memref<16x1024xf32, #tpu.memory_space<hbm>>)
      %add3A_78 = arith.constant 96 : i32
      %add3A_79 = arith.addi %mul3A_9, %add3A_78 : i32
      %dma_start3A_80 = arith.constant 0 : i32
      %dma_start3A_81 = tpu.memref_slice %arg2[%add3A_79, %dma_start3A_80] : memref<8192x1024xf32, #tpu.memory_space<hbm>> -> memref<16x1024xf32, #tpu.memory_space<hbm>>
      %dma_start3A_82 = arith.constant 0 : i32
      %dma_start3A_83 = tpu.memref_slice %arg2[%add3A_79, %dma_start3A_82] : memref<8192x1024xf32, #tpu.memory_space<hbm>> -> memref<16x1024xf32, #tpu.memory_space<hbm>>
      tpu.enqueue_dma source(%dma_start3A_83 : memref<16x1024xf32, #tpu.memory_space<hbm>>) target(%run_scoped3A : memref<16x1024xf32, #tpu.memory_space<vmem>>) target_semaphore(%run_scoped3A_5 : memref<!tpu.dma_semaphore, #tpu.memory_space<semaphore_mem>>)
      %dma_wait3A_84 = arith.constant 0 : i32
      %dma_wait3A_85 = tpu.memref_slice %arg2[%add3A_28, %dma_wait3A_84] : memref<8192x1024xf32, #tpu.memory_space<hbm>> -> memref<16x1024xf32, #tpu.memory_space<hbm>>
      %dma_wait3A_86 = arith.constant 0 : i32
      %dma_wait3A_87 = tpu.memref_slice %arg2[%add3A_28, %dma_wait3A_86] : memref<8192x1024xf32, #tpu.memory_space<hbm>> -> memref<16x1024xf32, #tpu.memory_space<hbm>>
      tpu.wait_dma2 semaphore(%run_scoped3A_5 : memref<!tpu.dma_semaphore, #tpu.memory_space<semaphore_mem>>) src(%dma_wait3A_87 : memref<16x1024xf32, #tpu.memory_space<hbm>>) dst(%run_scoped3A_2 : memref<16x1024xf32, #tpu.memory_space<vmem>>)
      %add3A_88 = arith.constant 48 : i32
      %add3A_89 = arith.addi %mul3A_9, %add3A_88 : i32
      %dma_start3A_90 = arith.constant 0 : i32
      %dma_start3A_91 = tpu.memref_slice %arg3[%add3A_89, %dma_start3A_90] : memref<8192x1024xf32, #tpu.memory_space<hbm>> -> memref<16x1024xf32, #tpu.memory_space<hbm>>
      %dma_start3A_92 = arith.constant 0 : i32
      %dma_start3A_93 = tpu.memref_slice %arg3[%add3A_89, %dma_start3A_92] : memref<8192x1024xf32, #tpu.memory_space<hbm>> -> memref<16x1024xf32, #tpu.memory_space<hbm>>
      tpu.enqueue_dma source(%run_scoped3A_2 : memref<16x1024xf32, #tpu.memory_space<vmem>>) target(%dma_start3A_93 : memref<16x1024xf32, #tpu.memory_space<hbm>>) target_semaphore(%run_scoped3A_6 : memref<!tpu.dma_semaphore, #tpu.memory_space<semaphore_mem>>)
      %dma_wait3A_94 = arith.constant 0 : i32
      %dma_wait3A_95 = tpu.memref_slice %arg3[%add3A_53, %dma_wait3A_94] : memref<8192x1024xf32, #tpu.memory_space<hbm>> -> memref<16x1024xf32, #tpu.memory_space<hbm>>
      %dma_wait3A_96 = arith.constant 0 : i32
      %dma_wait3A_97 = tpu.memref_slice %arg3[%add3A_53, %dma_wait3A_96] : memref<8192x1024xf32, #tpu.memory_space<hbm>> -> memref<16x1024xf32, #tpu.memory_space<hbm>>
      tpu.wait_dma2 semaphore(%run_scoped3A_6 : memref<!tpu.dma_semaphore, #tpu.memory_space<semaphore_mem>>) src(%run_scoped3A_0 : memref<16x1024xf32, #tpu.memory_space<vmem>>) dst(%dma_wait3A_97 : memref<16x1024xf32, #tpu.memory_space<hbm>>)
      %add3A_98 = arith.constant 112 : i32
      %add3A_99 = arith.addi %mul3A_9, %add3A_98 : i32
      %dma_start3A_100 = arith.constant 0 : i32
      %dma_start3A_101 = tpu.memref_slice %arg2[%add3A_99, %dma_start3A_100] : memref<8192x1024xf32, #tpu.memory_space<hbm>> -> memref<16x1024xf32, #tpu.memory_space<hbm>>
      %dma_start3A_102 = arith.constant 0 : i32
      %dma_start3A_103 = tpu.memref_slice %arg2[%add3A_99, %dma_start3A_102] : memref<8192x1024xf32, #tpu.memory_space<hbm>> -> memref<16x1024xf32, #tpu.memory_space<hbm>>
      tpu.enqueue_dma source(%dma_start3A_103 : memref<16x1024xf32, #tpu.memory_space<hbm>>) target(%run_scoped3A_0 : memref<16x1024xf32, #tpu.memory_space<vmem>>) target_semaphore(%run_scoped3A_5 : memref<!tpu.dma_semaphore, #tpu.memory_space<semaphore_mem>>)
      %dma_wait3A_104 = arith.constant 0 : i32
      %dma_wait3A_105 = tpu.memref_slice %arg2[%add3A_43, %dma_wait3A_104] : memref<8192x1024xf32, #tpu.memory_space<hbm>> -> memref<16x1024xf32, #tpu.memory_space<hbm>>
      %dma_wait3A_106 = arith.constant 0 : i32
      %dma_wait3A_107 = tpu.memref_slice %arg2[%add3A_43, %dma_wait3A_106] : memref<8192x1024xf32, #tpu.memory_space<hbm>> -> memref<16x1024xf32, #tpu.memory_space<hbm>>
      tpu.wait_dma2 semaphore(%run_scoped3A_5 : memref<!tpu.dma_semaphore, #tpu.memory_space<semaphore_mem>>) src(%dma_wait3A_107 : memref<16x1024xf32, #tpu.memory_space<hbm>>) dst(%run_scoped3A_3 : memref<16x1024xf32, #tpu.memory_space<vmem>>)
      %add3A_108 = arith.constant 64 : i32
      %add3A_109 = arith.addi %mul3A_9, %add3A_108 : i32
      %dma_start3A_110 = arith.constant 0 : i32
      %dma_start3A_111 = tpu.memref_slice %arg3[%add3A_109, %dma_start3A_110] : memref<8192x1024xf32, #tpu.memory_space<hbm>> -> memref<16x1024xf32, #tpu.memory_space<hbm>>
      %dma_start3A_112 = arith.constant 0 : i32
      %dma_start3A_113 = tpu.memref_slice %arg3[%add3A_109, %dma_start3A_112] : memref<8192x1024xf32, #tpu.memory_space<hbm>> -> memref<16x1024xf32, #tpu.memory_space<hbm>>
      tpu.enqueue_dma source(%run_scoped3A_3 : memref<16x1024xf32, #tpu.memory_space<vmem>>) target(%dma_start3A_113 : memref<16x1024xf32, #tpu.memory_space<hbm>>) target_semaphore(%run_scoped3A_6 : memref<!tpu.dma_semaphore, #tpu.memory_space<semaphore_mem>>)
      %dma_wait3A_114 = arith.constant 0 : i32
      %dma_wait3A_115 = tpu.memref_slice %arg3[%add3A_69, %dma_wait3A_114] : memref<8192x1024xf32, #tpu.memory_space<hbm>> -> memref<16x1024xf32, #tpu.memory_space<hbm>>
      %dma_wait3A_116 = arith.constant 0 : i32
      %dma_wait3A_117 = tpu.memref_slice %arg3[%add3A_69, %dma_wait3A_116] : memref<8192x1024xf32, #tpu.memory_space<hbm>> -> memref<16x1024xf32, #tpu.memory_space<hbm>>
      tpu.wait_dma2 semaphore(%run_scoped3A_6 : memref<!tpu.dma_semaphore, #tpu.memory_space<semaphore_mem>>) src(%run_scoped3A_1 : memref<16x1024xf32, #tpu.memory_space<vmem>>) dst(%dma_wait3A_117 : memref<16x1024xf32, #tpu.memory_space<hbm>>)
      %add3A_118 = arith.constant 128 : i32
      %add3A_119 = arith.addi %mul3A_9, %add3A_118 : i32
      %dma_start3A_120 = arith.constant 0 : i32
      %dma_start3A_121 = tpu.memref_slice %arg2[%add3A_119, %dma_start3A_120] : memref<8192x1024xf32, #tpu.memory_space<hbm>> -> memref<16x1024xf32, #tpu.memory_space<hbm>>
      %dma_start3A_122 = arith.constant 0 : i32
      %dma_start3A_123 = tpu.memref_slice %arg2[%add3A_119, %dma_start3A_122] : memref<8192x1024xf32, #tpu.memory_space<hbm>> -> memref<16x1024xf32, #tpu.memory_space<hbm>>
      tpu.enqueue_dma source(%dma_start3A_123 : memref<16x1024xf32, #tpu.memory_space<hbm>>) target(%run_scoped3A_1 : memref<16x1024xf32, #tpu.memory_space<vmem>>) target_semaphore(%run_scoped3A_5 : memref<!tpu.dma_semaphore, #tpu.memory_space<semaphore_mem>>)
      %dma_wait3A_124 = arith.constant 0 : i32
      %dma_wait3A_125 = tpu.memref_slice %arg2[%add3A_59, %dma_wait3A_124] : memref<8192x1024xf32, #tpu.memory_space<hbm>> -> memref<16x1024xf32, #tpu.memory_space<hbm>>
      %dma_wait3A_126 = arith.constant 0 : i32
      %dma_wait3A_127 = tpu.memref_slice %arg2[%add3A_59, %dma_wait3A_126] : memref<8192x1024xf32, #tpu.memory_space<hbm>> -> memref<16x1024xf32, #tpu.memory_space<hbm>>
      tpu.wait_dma2 semaphore(%run_scoped3A_5 : memref<!tpu.dma_semaphore, #tpu.memory_space<semaphore_mem>>) src(%dma_wait3A_127 : memref<16x1024xf32, #tpu.memory_space<hbm>>) dst(%run_scoped3A_4 : memref<16x1024xf32, #tpu.memory_space<vmem>>)
      %add3A_128 = arith.constant 80 : i32
      %add3A_129 = arith.addi %mul3A_9, %add3A_128 : i32
      %dma_start3A_130 = arith.constant 0 : i32
      %dma_start3A_131 = tpu.memref_slice %arg3[%add3A_129, %dma_start3A_130] : memref<8192x1024xf32, #tpu.memory_space<hbm>> -> memref<16x1024xf32, #tpu.memory_space<hbm>>
      %dma_start3A_132 = arith.constant 0 : i32
      %dma_start3A_133 = tpu.memref_slice %arg3[%add3A_129, %dma_start3A_132] : memref<8192x1024xf32, #tpu.memory_space<hbm>> -> memref<16x1024xf32, #tpu.memory_space<hbm>>
      tpu.enqueue_dma source(%run_scoped3A_4 : memref<16x1024xf32, #tpu.memory_space<vmem>>) target(%dma_start3A_133 : memref<16x1024xf32, #tpu.memory_space<hbm>>) target_semaphore(%run_scoped3A_6 : memref<!tpu.dma_semaphore, #tpu.memory_space<semaphore_mem>>)
      %dma_wait3A_134 = arith.constant 0 : i32
      %dma_wait3A_135 = tpu.memref_slice %arg3[%add3A_89, %dma_wait3A_134] : memref<8192x1024xf32, #tpu.memory_space<hbm>> -> memref<16x1024xf32, #tpu.memory_space<hbm>>
      %dma_wait3A_136 = arith.constant 0 : i32
      %dma_wait3A_137 = tpu.memref_slice %arg3[%add3A_89, %dma_wait3A_136] : memref<8192x1024xf32, #tpu.memory_space<hbm>> -> memref<16x1024xf32, #tpu.memory_space<hbm>>
      tpu.wait_dma2 semaphore(%run_scoped3A_6 : memref<!tpu.dma_semaphore, #tpu.memory_space<semaphore_mem>>) src(%run_scoped3A_2 : memref<16x1024xf32, #tpu.memory_space<vmem>>) dst(%dma_wait3A_137 : memref<16x1024xf32, #tpu.memory_space<hbm>>)
      %add3A_138 = arith.constant 144 : i32
      %add3A_139 = arith.addi %mul3A_9, %add3A_138 : i32
      %dma_start3A_140 = arith.constant 0 : i32
      %dma_start3A_141 = tpu.memref_slice %arg2[%add3A_139, %dma_start3A_140] : memref<8192x1024xf32, #tpu.memory_space<hbm>> -> memref<16x1024xf32, #tpu.memory_space<hbm>>
      %dma_start3A_142 = arith.constant 0 : i32
      %dma_start3A_143 = tpu.memref_slice %arg2[%add3A_139, %dma_start3A_142] : memref<8192x1024xf32, #tpu.memory_space<hbm>> -> memref<16x1024xf32, #tpu.memory_space<hbm>>
      tpu.enqueue_dma source(%dma_start3A_143 : memref<16x1024xf32, #tpu.memory_space<hbm>>) target(%run_scoped3A_2 : memref<16x1024xf32, #tpu.memory_space<vmem>>) target_semaphore(%run_scoped3A_5 : memref<!tpu.dma_semaphore, #tpu.memory_space<semaphore_mem>>)
      %dma_wait3A_144 = arith.constant 0 : i32
      %dma_wait3A_145 = tpu.memref_slice %arg2[%add3A_79, %dma_wait3A_144] : memref<8192x1024xf32, #tpu.memory_space<hbm>> -> memref<16x1024xf32, #tpu.memory_space<hbm>>
      %dma_wait3A_146 = arith.constant 0 : i32
      %dma_wait3A_147 = tpu.memref_slice %arg2[%add3A_79, %dma_wait3A_146] : memref<8192x1024xf32, #tpu.memory_space<hbm>> -> memref<16x1024xf32, #tpu.memory_space<hbm>>
      tpu.wait_dma2 semaphore(%run_scoped3A_5 : memref<!tpu.dma_semaphore, #tpu.memory_space<semaphore_mem>>) src(%dma_wait3A_147 : memref<16x1024xf32, #tpu.memory_space<hbm>>) dst(%run_scoped3A : memref<16x1024xf32, #tpu.memory_space<vmem>>)
      %add3A_148 = arith.constant 96 : i32
      %add3A_149 = arith.addi %mul3A_9, %add3A_148 : i32
      %dma_start3A_150 = arith.constant 0 : i32
      %dma_start3A_151 = tpu.memref_slice %arg3[%add3A_149, %dma_start3A_150] : memref<8192x1024xf32, #tpu.memory_space<hbm>> -> memref<16x1024xf32, #tpu.memory_space<hbm>>
      %dma_start3A_152 = arith.constant 0 : i32
      %dma_start3A_153 = tpu.memref_slice %arg3[%add3A_149, %dma_start3A_152] : memref<8192x1024xf32, #tpu.memory_space<hbm>> -> memref<16x1024xf32, #tpu.memory_space<hbm>>
      tpu.enqueue_dma source(%run_scoped3A : memref<16x1024xf32, #tpu.memory_space<vmem>>) target(%dma_start3A_153 : memref<16x1024xf32, #tpu.memory_space<hbm>>) target_semaphore(%run_scoped3A_6 : memref<!tpu.dma_semaphore, #tpu.memory_space<semaphore_mem>>)
      %dma_wait3A_154 = arith.constant 0 : i32
      %dma_wait3A_155 = tpu.memref_slice %arg3[%add3A_109, %dma_wait3A_154] : memref<8192x1024xf32, #tpu.memory_space<hbm>> -> memref<16x1024xf32, #tpu.memory_space<hbm>>
      %dma_wait3A_156 = arith.constant 0 : i32
      %dma_wait3A_157 = tpu.memref_slice %arg3[%add3A_109, %dma_wait3A_156] : memref<8192x1024xf32, #tpu.memory_space<hbm>> -> memref<16x1024xf32, #tpu.memory_space<hbm>>
      tpu.wait_dma2 semaphore(%run_scoped3A_6 : memref<!tpu.dma_semaphore, #tpu.memory_space<semaphore_mem>>) src(%run_scoped3A_3 : memref<16x1024xf32, #tpu.memory_space<vmem>>) dst(%dma_wait3A_157 : memref<16x1024xf32, #tpu.memory_space<hbm>>)
      %add3A_158 = arith.constant 160 : i32
      %add3A_159 = arith.addi %mul3A_9, %add3A_158 : i32
      %dma_start3A_160 = arith.constant 0 : i32
      %dma_start3A_161 = tpu.memref_slice %arg2[%add3A_159, %dma_start3A_160] : memref<8192x1024xf32, #tpu.memory_space<hbm>> -> memref<16x1024xf32, #tpu.memory_space<hbm>>
      %dma_start3A_162 = arith.constant 0 : i32
      %dma_start3A_163 = tpu.memref_slice %arg2[%add3A_159, %dma_start3A_162] : memref<8192x1024xf32, #tpu.memory_space<hbm>> -> memref<16x1024xf32, #tpu.memory_space<hbm>>
      tpu.enqueue_dma source(%dma_start3A_163 : memref<16x1024xf32, #tpu.memory_space<hbm>>) target(%run_scoped3A_3 : memref<16x1024xf32, #tpu.memory_space<vmem>>) target_semaphore(%run_scoped3A_5 : memref<!tpu.dma_semaphore, #tpu.memory_space<semaphore_mem>>)
      %dma_wait3A_164 = arith.constant 0 : i32
      %dma_wait3A_165 = tpu.memref_slice %arg2[%add3A_99, %dma_wait3A_164] : memref<8192x1024xf32, #tpu.memory_space<hbm>> -> memref<16x1024xf32, #tpu.memory_space<hbm>>
      %dma_wait3A_166 = arith.constant 0 : i32
      %dma_wait3A_167 = tpu.memref_slice %arg2[%add3A_99, %dma_wait3A_166] : memref<8192x1024xf32, #tpu.memory_space<hbm>> -> memref<16x1024xf32, #tpu.memory_space<hbm>>
      tpu.wait_dma2 semaphore(%run_scoped3A_5 : memref<!tpu.dma_semaphore, #tpu.memory_space<semaphore_mem>>) src(%dma_wait3A_167 : memref<16x1024xf32, #tpu.memory_space<hbm>>) dst(%run_scoped3A_0 : memref<16x1024xf32, #tpu.memory_space<vmem>>)
      %add3A_168 = arith.constant 112 : i32
      %add3A_169 = arith.addi %mul3A_9, %add3A_168 : i32
      %dma_start3A_170 = arith.constant 0 : i32
      %dma_start3A_171 = tpu.memref_slice %arg3[%add3A_169, %dma_start3A_170] : memref<8192x1024xf32, #tpu.memory_space<hbm>> -> memref<16x1024xf32, #tpu.memory_space<hbm>>
      %dma_start3A_172 = arith.constant 0 : i32
      %dma_start3A_173 = tpu.memref_slice %arg3[%add3A_169, %dma_start3A_172] : memref<8192x1024xf32, #tpu.memory_space<hbm>> -> memref<16x1024xf32, #tpu.memory_space<hbm>>
      tpu.enqueue_dma source(%run_scoped3A_0 : memref<16x1024xf32, #tpu.memory_space<vmem>>) target(%dma_start3A_173 : memref<16x1024xf32, #tpu.memory_space<hbm>>) target_semaphore(%run_scoped3A_6 : memref<!tpu.dma_semaphore, #tpu.memory_space<semaphore_mem>>)
      %dma_wait3A_174 = arith.constant 0 : i32
      %dma_wait3A_175 = tpu.memref_slice %arg3[%add3A_129, %dma_wait3A_174] : memref<8192x1024xf32, #tpu.memory_space<hbm>> -> memref<16x1024xf32, #tpu.memory_space<hbm>>
      %dma_wait3A_176 = arith.constant 0 : i32
      %dma_wait3A_177 = tpu.memref_slice %arg3[%add3A_129, %dma_wait3A_176] : memref<8192x1024xf32, #tpu.memory_space<hbm>> -> memref<16x1024xf32, #tpu.memory_space<hbm>>
      tpu.wait_dma2 semaphore(%run_scoped3A_6 : memref<!tpu.dma_semaphore, #tpu.memory_space<semaphore_mem>>) src(%run_scoped3A_4 : memref<16x1024xf32, #tpu.memory_space<vmem>>) dst(%dma_wait3A_177 : memref<16x1024xf32, #tpu.memory_space<hbm>>)
      %add3A_178 = arith.constant 176 : i32
      %add3A_179 = arith.addi %mul3A_9, %add3A_178 : i32
      %dma_start3A_180 = arith.constant 0 : i32
      %dma_start3A_181 = tpu.memref_slice %arg2[%add3A_179, %dma_start3A_180] : memref<8192x1024xf32, #tpu.memory_space<hbm>> -> memref<16x1024xf32, #tpu.memory_space<hbm>>
      %dma_start3A_182 = arith.constant 0 : i32
      %dma_start3A_183 = tpu.memref_slice %arg2[%add3A_179, %dma_start3A_182] : memref<8192x1024xf32, #tpu.memory_space<hbm>> -> memref<16x1024xf32, #tpu.memory_space<hbm>>
      tpu.enqueue_dma source(%dma_start3A_183 : memref<16x1024xf32, #tpu.memory_space<hbm>>) target(%run_scoped3A_4 : memref<16x1024xf32, #tpu.memory_space<vmem>>) target_semaphore(%run_scoped3A_5 : memref<!tpu.dma_semaphore, #tpu.memory_space<semaphore_mem>>)
      %dma_wait3A_184 = arith.constant 0 : i32
      %dma_wait3A_185 = tpu.memref_slice %arg2[%add3A_119, %dma_wait3A_184] : memref<8192x1024xf32, #tpu.memory_space<hbm>> -> memref<16x1024xf32, #tpu.memory_space<hbm>>
      %dma_wait3A_186 = arith.constant 0 : i32
      %dma_wait3A_187 = tpu.memref_slice %arg2[%add3A_119, %dma_wait3A_186] : memref<8192x1024xf32, #tpu.memory_space<hbm>> -> memref<16x1024xf32, #tpu.memory_space<hbm>>
      tpu.wait_dma2 semaphore(%run_scoped3A_5 : memref<!tpu.dma_semaphore, #tpu.memory_space<semaphore_mem>>) src(%dma_wait3A_187 : memref<16x1024xf32, #tpu.memory_space<hbm>>) dst(%run_scoped3A_1 : memref<16x1024xf32, #tpu.memory_space<vmem>>)
      %add3A_188 = arith.constant 128 : i32
      %add3A_189 = arith.addi %mul3A_9, %add3A_188 : i32
      %dma_start3A_190 = arith.constant 0 : i32
      %dma_start3A_191 = tpu.memref_slice %arg3[%add3A_189, %dma_start3A_190] : memref<8192x1024xf32, #tpu.memory_space<hbm>> -> memref<16x1024xf32, #tpu.memory_space<hbm>>
      %dma_start3A_192 = arith.constant 0 : i32
      %dma_start3A_193 = tpu.memref_slice %arg3[%add3A_189, %dma_start3A_192] : memref<8192x1024xf32, #tpu.memory_space<hbm>> -> memref<16x1024xf32, #tpu.memory_space<hbm>>
      tpu.enqueue_dma source(%run_scoped3A_1 : memref<16x1024xf32, #tpu.memory_space<vmem>>) target(%dma_start3A_193 : memref<16x1024xf32, #tpu.memory_space<hbm>>) target_semaphore(%run_scoped3A_6 : memref<!tpu.dma_semaphore, #tpu.memory_space<semaphore_mem>>)
      %dma_wait3A_194 = arith.constant 0 : i32
      %dma_wait3A_195 = tpu.memref_slice %arg2[%add3A_139, %dma_wait3A_194] : memref<8192x1024xf32, #tpu.memory_space<hbm>> -> memref<16x1024xf32, #tpu.memory_space<hbm>>
      %dma_wait3A_196 = arith.constant 0 : i32
      %dma_wait3A_197 = tpu.memref_slice %arg2[%add3A_139, %dma_wait3A_196] : memref<8192x1024xf32, #tpu.memory_space<hbm>> -> memref<16x1024xf32, #tpu.memory_space<hbm>>
      tpu.wait_dma2 semaphore(%run_scoped3A_5 : memref<!tpu.dma_semaphore, #tpu.memory_space<semaphore_mem>>) src(%dma_wait3A_197 : memref<16x1024xf32, #tpu.memory_space<hbm>>) dst(%run_scoped3A_2 : memref<16x1024xf32, #tpu.memory_space<vmem>>)
      %add3A_198 = arith.constant 144 : i32
      %add3A_199 = arith.addi %mul3A_9, %add3A_198 : i32
      %dma_start3A_200 = arith.constant 0 : i32
      %dma_start3A_201 = tpu.memref_slice %arg3[%add3A_199, %dma_start3A_200] : memref<8192x1024xf32, #tpu.memory_space<hbm>> -> memref<16x1024xf32, #tpu.memory_space<hbm>>
      %dma_start3A_202 = arith.constant 0 : i32
      %dma_start3A_203 = tpu.memref_slice %arg3[%add3A_199, %dma_start3A_202] : memref<8192x1024xf32, #tpu.memory_space<hbm>> -> memref<16x1024xf32, #tpu.memory_space<hbm>>
      tpu.enqueue_dma source(%run_scoped3A_2 : memref<16x1024xf32, #tpu.memory_space<vmem>>) target(%dma_start3A_203 : memref<16x1024xf32, #tpu.memory_space<hbm>>) target_semaphore(%run_scoped3A_6 : memref<!tpu.dma_semaphore, #tpu.memory_space<semaphore_mem>>)
      %dma_wait3A_204 = arith.constant 0 : i32
      %dma_wait3A_205 = tpu.memref_slice %arg2[%add3A_159, %dma_wait3A_204] : memref<8192x1024xf32, #tpu.memory_space<hbm>> -> memref<16x1024xf32, #tpu.memory_space<hbm>>
      %dma_wait3A_206 = arith.constant 0 : i32
      %dma_wait3A_207 = tpu.memref_slice %arg2[%add3A_159, %dma_wait3A_206] : memref<8192x1024xf32, #tpu.memory_space<hbm>> -> memref<16x1024xf32, #tpu.memory_space<hbm>>
      tpu.wait_dma2 semaphore(%run_scoped3A_5 : memref<!tpu.dma_semaphore, #tpu.memory_space<semaphore_mem>>) src(%dma_wait3A_207 : memref<16x1024xf32, #tpu.memory_space<hbm>>) dst(%run_scoped3A_3 : memref<16x1024xf32, #tpu.memory_space<vmem>>)
      %add3A_208 = arith.constant 160 : i32
      %add3A_209 = arith.addi %mul3A_9, %add3A_208 : i32
      %dma_start3A_210 = arith.constant 0 : i32
      %dma_start3A_211 = tpu.memref_slice %arg3[%add3A_209, %dma_start3A_210] : memref<8192x1024xf32, #tpu.memory_space<hbm>> -> memref<16x1024xf32, #tpu.memory_space<hbm>>
      %dma_start3A_212 = arith.constant 0 : i32
      %dma_start3A_213 = tpu.memref_slice %arg3[%add3A_209, %dma_start3A_212] : memref<8192x1024xf32, #tpu.memory_space<hbm>> -> memref<16x1024xf32, #tpu.memory_space<hbm>>
      tpu.enqueue_dma source(%run_scoped3A_3 : memref<16x1024xf32, #tpu.memory_space<vmem>>) target(%dma_start3A_213 : memref<16x1024xf32, #tpu.memory_space<hbm>>) target_semaphore(%run_scoped3A_6 : memref<!tpu.dma_semaphore, #tpu.memory_space<semaphore_mem>>)
      %dma_wait3A_214 = arith.constant 0 : i32
      %dma_wait3A_215 = tpu.memref_slice %arg2[%add3A_179, %dma_wait3A_214] : memref<8192x1024xf32, #tpu.memory_space<hbm>> -> memref<16x1024xf32, #tpu.memory_space<hbm>>
      %dma_wait3A_216 = arith.constant 0 : i32
      %dma_wait3A_217 = tpu.memref_slice %arg2[%add3A_179, %dma_wait3A_216] : memref<8192x1024xf32, #tpu.memory_space<hbm>> -> memref<16x1024xf32, #tpu.memory_space<hbm>>
      tpu.wait_dma2 semaphore(%run_scoped3A_5 : memref<!tpu.dma_semaphore, #tpu.memory_space<semaphore_mem>>) src(%dma_wait3A_217 : memref<16x1024xf32, #tpu.memory_space<hbm>>) dst(%run_scoped3A_4 : memref<16x1024xf32, #tpu.memory_space<vmem>>)
      %add3A_218 = arith.constant 176 : i32
      %add3A_219 = arith.addi %mul3A_9, %add3A_218 : i32
      %dma_start3A_220 = arith.constant 0 : i32
      %dma_start3A_221 = tpu.memref_slice %arg3[%add3A_219, %dma_start3A_220] : memref<8192x1024xf32, #tpu.memory_space<hbm>> -> memref<16x1024xf32, #tpu.memory_space<hbm>>
      %dma_start3A_222 = arith.constant 0 : i32
      %dma_start3A_223 = tpu.memref_slice %arg3[%add3A_219, %dma_start3A_222] : memref<8192x1024xf32, #tpu.memory_space<hbm>> -> memref<16x1024xf32, #tpu.memory_space<hbm>>
      tpu.enqueue_dma source(%run_scoped3A_4 : memref<16x1024xf32, #tpu.memory_space<vmem>>) target(%dma_start3A_223 : memref<16x1024xf32, #tpu.memory_space<hbm>>) target_semaphore(%run_scoped3A_6 : memref<!tpu.dma_semaphore, #tpu.memory_space<semaphore_mem>>)
      %dma_wait3A_224 = arith.constant 0 : i32
      %dma_wait3A_225 = tpu.memref_slice %arg3[%add3A_149, %dma_wait3A_224] : memref<8192x1024xf32, #tpu.memory_space<hbm>> -> memref<16x1024xf32, #tpu.memory_space<hbm>>
      %dma_wait3A_226 = arith.constant 0 : i32
      %dma_wait3A_227 = tpu.memref_slice %arg3[%add3A_149, %dma_wait3A_226] : memref<8192x1024xf32, #tpu.memory_space<hbm>> -> memref<16x1024xf32, #tpu.memory_space<hbm>>
      tpu.wait_dma2 semaphore(%run_scoped3A_6 : memref<!tpu.dma_semaphore, #tpu.memory_space<semaphore_mem>>) src(%run_scoped3A : memref<16x1024xf32, #tpu.memory_space<vmem>>) dst(%dma_wait3A_227 : memref<16x1024xf32, #tpu.memory_space<hbm>>)
      %dma_wait3A_228 = arith.constant 0 : i32
      %dma_wait3A_229 = tpu.memref_slice %arg3[%add3A_169, %dma_wait3A_228] : memref<8192x1024xf32, #tpu.memory_space<hbm>> -> memref<16x1024xf32, #tpu.memory_space<hbm>>
      %dma_wait3A_230 = arith.constant 0 : i32
      %dma_wait3A_231 = tpu.memref_slice %arg3[%add3A_169, %dma_wait3A_230] : memref<8192x1024xf32, #tpu.memory_space<hbm>> -> memref<16x1024xf32, #tpu.memory_space<hbm>>
      tpu.wait_dma2 semaphore(%run_scoped3A_6 : memref<!tpu.dma_semaphore, #tpu.memory_space<semaphore_mem>>) src(%run_scoped3A_0 : memref<16x1024xf32, #tpu.memory_space<vmem>>) dst(%dma_wait3A_231 : memref<16x1024xf32, #tpu.memory_space<hbm>>)
      %dma_wait3A_232 = arith.constant 0 : i32
      %dma_wait3A_233 = tpu.memref_slice %arg3[%add3A_189, %dma_wait3A_232] : memref<8192x1024xf32, #tpu.memory_space<hbm>> -> memref<16x1024xf32, #tpu.memory_space<hbm>>
      %dma_wait3A_234 = arith.constant 0 : i32
      %dma_wait3A_235 = tpu.memref_slice %arg3[%add3A_189, %dma_wait3A_234] : memref<8192x1024xf32, #tpu.memory_space<hbm>> -> memref<16x1024xf32, #tpu.memory_space<hbm>>
      tpu.wait_dma2 semaphore(%run_scoped3A_6 : memref<!tpu.dma_semaphore, #tpu.memory_space<semaphore_mem>>) src(%run_scoped3A_1 : memref<16x1024xf32, #tpu.memory_space<vmem>>) dst(%dma_wait3A_235 : memref<16x1024xf32, #tpu.memory_space<hbm>>)
      %dma_wait3A_236 = arith.constant 0 : i32
      %dma_wait3A_237 = tpu.memref_slice %arg3[%add3A_199, %dma_wait3A_236] : memref<8192x1024xf32, #tpu.memory_space<hbm>> -> memref<16x1024xf32, #tpu.memory_space<hbm>>
      %dma_wait3A_238 = arith.constant 0 : i32
      %dma_wait3A_239 = tpu.memref_slice %arg3[%add3A_199, %dma_wait3A_238] : memref<8192x1024xf32, #tpu.memory_space<hbm>> -> memref<16x1024xf32, #tpu.memory_space<hbm>>
      tpu.wait_dma2 semaphore(%run_scoped3A_6 : memref<!tpu.dma_semaphore, #tpu.memory_space<semaphore_mem>>) src(%run_scoped3A_2 : memref<16x1024xf32, #tpu.memory_space<vmem>>) dst(%dma_wait3A_239 : memref<16x1024xf32, #tpu.memory_space<hbm>>)
      %dma_wait3A_240 = arith.constant 0 : i32
      %dma_wait3A_241 = tpu.memref_slice %arg3[%add3A_209, %dma_wait3A_240] : memref<8192x1024xf32, #tpu.memory_space<hbm>> -> memref<16x1024xf32, #tpu.memory_space<hbm>>
      %dma_wait3A_242 = arith.constant 0 : i32
      %dma_wait3A_243 = tpu.memref_slice %arg3[%add3A_209, %dma_wait3A_242] : memref<8192x1024xf32, #tpu.memory_space<hbm>> -> memref<16x1024xf32, #tpu.memory_space<hbm>>
      tpu.wait_dma2 semaphore(%run_scoped3A_6 : memref<!tpu.dma_semaphore, #tpu.memory_space<semaphore_mem>>) src(%run_scoped3A_3 : memref<16x1024xf32, #tpu.memory_space<vmem>>) dst(%dma_wait3A_243 : memref<16x1024xf32, #tpu.memory_space<hbm>>)
      %dma_wait3A_244 = arith.constant 0 : i32
      %dma_wait3A_245 = tpu.memref_slice %arg3[%add3A_219, %dma_wait3A_244] : memref<8192x1024xf32, #tpu.memory_space<hbm>> -> memref<16x1024xf32, #tpu.memory_space<hbm>>
      %dma_wait3A_246 = arith.constant 0 : i32
      %dma_wait3A_247 = tpu.memref_slice %arg3[%add3A_219, %dma_wait3A_246] : memref<8192x1024xf32, #tpu.memory_space<hbm>> -> memref<16x1024xf32, #tpu.memory_space<hbm>>
      tpu.wait_dma2 semaphore(%run_scoped3A_6 : memref<!tpu.dma_semaphore, #tpu.memory_space<semaphore_mem>>) src(%run_scoped3A_4 : memref<16x1024xf32, #tpu.memory_space<vmem>>) dst(%dma_wait3A_247 : memref<16x1024xf32, #tpu.memory_space<hbm>>)
      tpu.yield
    }) : () -> ()
    return
  }
}

</mosaic_0001>

<sc_bundles>
// kernel: kernel.3.cloned.1.call-start
scs
__scs_entry_jumppad:
0x0: {  	(pc) =	sbr.rel $0x88, $3  }
0x1: {  	(tag) =	ssettag $0x0;
	lr =	simm.s32 $0x1  }
0x2: {  	[smem:$0x3FA0] =	sst lr;
	_ =	strace $0xD0000000  }
0x3: {  	_ = 	snop  }
0x4: {  	_ = 	snop  }
0x5: {  	_ = 	snop  }
0x6: {  	_ = 	snop  }
0x7: {  	_ = 	snop  }
__scs_overlays_trampoline_lowered:
0x8: {  	[smem:$0x3FAF] =	sst s0  }
0x9: {  	[smem:$0x3FB0] =	sst s1  }
0xa: {  	[smem:$0x3FB1] =	sst s2  }
0xb: {  	[smem:$0x3FB2] =	sst s3  }
0xc: {  	[smem:$0x3FB3] =	sst s4  }
0xd: {  	[smem:$0x3FB4] =	sst s5  }
0xe: {  	[smem:$0x3FB5] =	sst s6  }
0xf: {  	[smem:$0x3FB6] =	sst s7  }
0x10: {  	[smem:$0x3FB7] =	sst s8  }
0x11: {  	[smem:$0x3FB8] =	sst s9;
	s0 =	simm.s32 @!p0 $0x0  }
0x12: {  	s1 =	sld [smem:$0x3F9E];
	s0 =	simm.s32 @p0 $0x1  }
0x13: {  	[smem:$0x3FB9] =	sst s0;
	s0 =	simm.s32 @!p1 $0x0  }
0x14: {  	s2 =	sld [smem:$0x3F9D];
	s0 =	simm.s32 @p1 $0x1  }
0x15: {  	[smem:$0x3FBA] =	sst s0;
	s0 =	simm.s32 @!p2 $0x0  }
0x16: {  	s3 =	sld [smem:$0x3FDB];
	s0 =	simm.s32 @p2 $0x1  }
0x17: {  	s4 =	simm.s32 $0x1BF5;
	[smem:$0x3FBC] =	sst s0  }
0x18: {  	s0 =	sld [smem:$0x3F9F];
	_ =	swait.ge [sflag:s4], $0x0  }
0x19: {  	s7 =	sld [smem:$0x3FA0]  }
0x1a: {  	s8 =	sadd.s32 $0xFFFFE003, lr  }
0x1b: {  	s9 =	sadd.s32 $0xFFFFFEF7, lr;
	s5 =	simm.s32 $0xFFFFFFFF;
	p2 =	slt.u32 s8, $0xFFFFF086  }
0x1c: {  	p1 =	slt.u32 s9, $0xF7A;
	s5 =	simm.s32 @!p2 $0x0  }
0x1d: {  	s5 =	simm.s32 @p1 $0x1;
	p0 =	seq.s32 s7, s2  }
0x1e: {  	s7 =	smul.u32 @!p0 $0xF7A, s2;
	p2 =	seq.s32 @!p0 s5, $0x0  }
0x1f: {  	s9 =	smul.u32 $0xF7A, s1;
	s8 =	simm.s32 @!p0 $0x1BF5;
	p2 =	por !p2, p0  }
0x20: {  	[sflag:s8] =	ssyncset.s32 @!p0 $0xFFFFF086;
	s6 =	sadd.s32 @!p0 s3, s7;
	s7 =	simm.s32 @!p0 $0x108  }
0x21: {  	s3 =	sadd.s32 s3, s9;
	s6 =	sadd.s32 @!p0 $0x88, s6;
	s7 =	simm.s32 @p2 $0x1082  }
0x22: {  	[simem:s7], [sflag:s8] =	dma.local @!p0 [hbm:s6], $0xF7A  }
0x23: {  	s9 =	sor.u32 $0xD0000000, s2;
	s6 =	simm.s32 $0x108;
	_ =	swait.ge @!p0 [sflag:s8], $0x0  }
0x24: {  	s3 =	sadd.s32 $0x88, s3;
	s6 =	simm.s32 @!p1 $0x1082;
	[sflag:s4] =	ssyncset.s32 $0xFFFFF086  }
0x25: {  	[simem:s6], [sflag:s4] =	dma.local [hbm:s3], $0xF7A  }
0x26: {  	[smem:$0x3FA0] =	sst s1;
	(tag) =	ssettag s2;
	_ =	strace s9  }
0x27: {  	s1 =	sld [smem:$0x3FB0]  }
0x28: {  	s2 =	sld [smem:$0x3FB1]  }
0x29: {  	s4 =	sld [smem:$0x3FB3]  }
0x2a: {  	p0 =	seq.s32 s5, $0x0;
	s5 =	sld [smem:$0x3FB4]  }
0x2b: {  	s6 =	sld [smem:$0x3FB5]  }
0x2c: {  	s7 =	sld [smem:$0x3FB6]  }
0x2d: {  	s3 =	simm.s32 $0x108;
	s8 =	sld [smem:$0x3FB7]  }
0x2e: {  	s3 =	simm.s32 @!p0 $0x1082;
	s9 =	sld [smem:$0x3FB8]  }
0x2f: {  	lr =	sadd.s32 s0, s3;
	s0 =	sld [smem:$0x3FAF]  }
0x30: {  	s3 =	sld [smem:$0x3FB2]  }
0x31: {  	[smem:$0x3FBB] =	sst s10  }
0x32: {  	s10 =	sld [smem:$0x3FB9];
	_ =	sdelay $0x3  }
0x33: {  	p0 =	seq.s32 s10, $0x1;
	s10 =	sld [smem:$0x3FBB];
	_ =	sdelay $0x3  }
0x34: {  	[smem:$0x3FBB] =	sst s10  }
0x35: {  	s10 =	sld [smem:$0x3FBA];
	_ =	sdelay $0x3  }
0x36: {  	p1 =	seq.s32 s10, $0x1;
	s10 =	sld [smem:$0x3FBB];
	_ =	sdelay $0x3  }
0x37: {  	[smem:$0x3FBB] =	sst s10  }
0x38: {  	s10 =	sld [smem:$0x3FBC]  }
0x39: {  	_ = 	snop;
	(pc) =	sbr.ind lr, $3  }
0x3a: {  	_ = 	snop  }
0x3b: {  	_ = 	snop  }
0x3c: {  	p2 =	seq.s32 s10, $0x1;
	s10 =	sld [smem:$0x3FBB]  }
0x3d: {  	_ =	shalt  }
0x3e: {  	_ =	shalt  }
0x3f: {  	_ =	shalt  }
0x40: {  	_ =	shalt  }
0x41: {  	_ =	shalt  }
0x42: {  	_ =	shalt  }
0x43: {  	_ =	shalt  }
0x44: {  	_ =	shalt  }
0x45: {  	_ =	shalt  }
0x46: {  	_ =	shalt  }
0x47: {  	_ =	shalt  }
0x48: {  	_ =	shalt  }
0x49: {  	_ =	shalt  }
0x4a: {  	_ =	shalt  }
0x4b: {  	_ =	shalt  }
0x4c: {  	_ =	shalt  }
0x4d: {  	_ =	shalt  }
0x4e: {  	_ =	shalt  }
0x4f: {  	_ =	shalt  }
0x50: {  	_ =	shalt  }
0x51: {  	_ =	shalt  }
0x52: {  	_ =	shalt  }
0x53: {  	_ =	shalt  }
0x54: {  	_ =	shalt  }
0x55: {  	_ =	shalt  }
0x56: {  	_ =	shalt  }
0x57: {  	_ =	shalt  }
0x58: {  	_ =	shalt  }
0x59: {  	_ =	shalt  }
0x5a: {  	_ =	shalt  }
0x5b: {  	_ =	shalt  }
0x5c: {  	_ =	shalt  }
0x5d: {  	_ =	shalt  }
0x5e: {  	_ =	shalt  }
0x5f: {  	_ =	shalt  }
0x60: {  	_ =	shalt  }
0x61: {  	_ =	shalt  }
0x62: {  	_ =	shalt  }
0x63: {  	_ =	shalt  }
0x64: {  	_ =	shalt  }
0x65: {  	_ =	shalt  }
0x66: {  	_ =	shalt  }
0x67: {  	_ =	shalt  }
0x68: {  	_ =	shalt  }
0x69: {  	_ =	shalt  }
0x6a: {  	_ =	shalt  }
0x6b: {  	_ =	shalt  }
0x6c: {  	_ =	shalt  }
0x6d: {  	_ =	shalt  }
0x6e: {  	_ =	shalt  }
0x6f: {  	_ =	shalt  }
0x70: {  	_ =	shalt  }
0x71: {  	_ =	shalt  }
0x72: {  	_ =	shalt  }
0x73: {  	_ =	shalt  }
0x74: {  	_ =	shalt  }
0x75: {  	_ =	shalt  }
0x76: {  	_ =	shalt  }
0x77: {  	_ =	shalt  }
0x78: {  	_ =	shalt  }
0x79: {  	_ =	shalt  }
0x7a: {  	_ =	shalt  }
0x7b: {  	_ =	shalt  }
0x7c: {  	_ =	shalt  }
0x7d: {  	_ =	shalt  }
0x7e: {  	_ =	shalt  }
0x7f: {  	_ =	shalt  }
0x80: {  	_ =	shalt  }
0x81: {  	_ =	shalt  }
0x82: {  	_ =	shalt  }
0x83: {  	_ =	shalt  }
0x84: {  	_ =	shalt  }
0x85: {  	_ =	shalt  }
0x86: {  	_ =	shalt  }
0x87: {  	_ =	shalt  }
.Lfunc_end0:
.L_simem_size_0:
called_computation_lowered:
.L_overlay_start_0:
0x88: {  	s1 =	sld [smem:$0x3FD9]  }
0x89: {  	s3 =	sld [smem:$0x3FFE];
	_ =	sdelay $0x1  }
0x8a: {  	s2 =	srdreg.scid  }
0x8b: {  	s0 =	sand.u32 $0x1, s2  }
0x8c: {  	s10 =	sshll.u32 s0, $0xA;
	s1 =	sadd.s32 s3, s1  }
0x8d: {  	s1 =	sadd.s32 s1, s10  }
0x8e: {  	[smem:$0x3FC7] =	sst s1  }
0x8f: {  	_ = 	snop  }
0x90: {  	s1 =	simm.s32 $0x0;
	s4 =	sld [smem:$0x3FC9]  }
0x91: {  	[smem:$0xF] =	sst s1  }
0x92: {  	s3 =	sld [smem:$0x3FD0];
	(tm) =	ssettm $0x1  }
0x93: {  	s5 =	sld [smem:$0x3FFB];
	_ =	sdelay $0x3  }
0x94: {  	_ =	strace s5  }
0x95: {  	s5 =	sld [smem:$0x3FFC];
	_ =	sdelay $0x3  }
0x96: {  	_ =	strace s5  }
0x97: {  	s5 =	sld [smem:$0x3FFD];
	_ =	sdelay $0x3  }
0x98: {  	_ =	strace s5  }
0x99: {  	_ =	strace $0x8FFFFFFF  }
0x9a: {  	s11 =	sld [smem:$0x3FDB];
	_ =	sdelay $0x2  }
0x9b: {  	s6 =	simm.s32 $_scs_section_size;
	s7 =	simm.s32 $_tile_overlayer_lowered  }
0x9c: {  	s12 =	simm.s32 $_size__tile_overlayer_lowered;
	s7 =	sshll.u32 s7, $0x1;
	s5 =	sadd.s32 s6, s11  }
0x9d: {  	s8 =	simm.s32 $0x1BFF;
	s6 =	sshll.u32 s12, $0x1;
	s7 =	sadd.s32 s7, s5  }
0x9e: {  	[timem:s1], [sflag:s8] =	dma.local [hbm:s7], s6  }
0x9f: {  	_ =	swait.ge [sflag:s8], s6  }
0xa0: {  	s6 =	ssub.s32 $0x0, s6;
	[sflag:s8] =	ssyncset.done $0x0  }
0xa1: {  	[sflag:s8] =	ssyncadd.s32 s6;
	_ =	sdelay $0x1  }
0xa2: {  	s13 =	simm.s32 $0x1B8B  }
0xa3: {  	_ =	swait.ge [sflag:s13], $0x1  }
0xa4: {  	[sflag:s13] =	ssyncset.done $0x0  }
0xa5: {  	s14 =	simm.s32 $0x1B8E;
	[sflag:s13] =	ssyncadd.s32 $0xFFFFFFFF  }
0xa6: {  	s15 =	simm.s32 $execute0_lowered;
	[smem:$0x3FD2] =	sst s14  }
0xa7: {  	s6 =	sshll.u32 s15, $0x1;
	_ =	strace $0x80000046;
	[dreg:$0x1] =	wrdreg $0xFFFFFFFF  }
0xa8: {  	s16 =	simm.s32 $_size_execute0_lowered;
	s5 =	sadd.s32 s5, s6;
	[dreg:$0x0] =	wrdreg $0x0  }
0xa9: {  	s6 =	sshll.u32 s16, $0x1;
	[dreg:$0x2] =	wrdreg s5  }
0xaa: {  	[dreg:$0x3] =	wrdreg s6  }
0xab: {  	[dreg:$0x4] =	wrdreg $0xC0  }
0xac: {  	_ =	task [dreg:s1], $0x5FFFF  }
0xad: {  	[dreg:$0x1] =	wrdreg $0xFFFFFFFF  }
0xae: {  	[dreg:$0x0] =	wrdreg $0x60  }
0xaf: {  	s7 =	sshll.u32 s0, $0x11;
	[dreg:$0x2] =	wrdreg s4  }
0xb0: {  	s9 =	simm.s32 $0x2000;
	s17 =	sor.u32 $0xC0000, s7;
	[dreg:$0x3] =	wrdreg s3  }
0xb1: {  	s10 =	sor.u32 $0xC2000, s7;
	s18 =	sadd.s32 s17, s4;
	[dreg:$0x4] =	wrdreg $0x9  }
0xb2: {  	s19 =	sadd.s32 s10, s4;
	s6 =	simm.s32 $0xA;
	_ =	task.clear_ibuf [dreg:s1], $0x5FFFF  }
0xb3: {  	[spmem:s1], [sflag:s6] =	dma.local [hbm:s18], $0x2000  }
0xb4: {  	[spmem:s9], [sflag:s6] =	dma.local [hbm:s19], $0x2000  }
0xb5: {  	s11 =	sor.u32 $0xC4000, s7;
	_ =	swait.ge [sflag:s6], $0x2000  }
0xb6: {  	s20 =	sadd.s32 s17, s3;
	s12 =	sadd.s32 s11, s4;
	[sflag:s6] =	ssyncset.done $0x0  }
0xb7: {  	s8 =	simm.s32 $0x4000;
	s5 =	simm.s32 $0xB;
	[sflag:s6] =	ssyncadd.s32 $0xFFFFE000  }
0xb8: {  	[hbm:s20], [sflag:s5] =	dma.local [spmem:s1], $0x2000  }
0xb9: {  	[spmem:s8], [sflag:s6] =	dma.local [hbm:s12], $0x2000  }
0xba: {  	_ =	swait.ge [sflag:s6], $0x2000  }
0xbb: {  	[sflag:s6] =	ssyncset.done $0x0  }
0xbc: {  	s21 =	sor.u32 $0xC6000, s7;
	s10 =	sadd.s32 s10, s3;
	[sflag:s6] =	ssyncadd.s32 $0xFFFFE000  }
0xbd: {  	[hbm:s10], [sflag:s5] =	dma.local [spmem:s9], $0x2000  }
0xbe: {  	s13 =	sadd.s32 s21, s4;
	s10 =	simm.s32 $0x6000  }
0xbf: {  	[spmem:s10], [sflag:s6] =	dma.local [hbm:s13], $0x2000  }
0xc0: {  	_ =	swait.ge [sflag:s6], $0x2000  }
0xc1: {  	[sflag:s6] =	ssyncset.done $0x0  }
0xc2: {  	[sflag:s6] =	ssyncadd.s32 $0xFFFFE000  }
0xc3: {  	s11 =	sadd.s32 s11, s3  }
0xc4: {  	[hbm:s11], [sflag:s5] =	dma.local [spmem:s8], $0x2000  }
0xc5: {  	_ =	swait.ge [sflag:s5], $0x2000  }
0xc6: {  	[sflag:s5] =	ssyncset.done $0x0  }
0xc7: {  	s22 =	sor.u32 $0xC8000, s7;
	[sflag:s5] =	ssyncadd.s32 $0xFFFFE000  }
0xc8: {  	s23 =	sadd.s32 s22, s4  }
0xc9: {  	[spmem:s1], [sflag:s6] =	dma.local [hbm:s23], $0x2000  }
0xca: {  	_ =	swait.ge [sflag:s6], $0x2000  }
0xcb: {  	[sflag:s6] =	ssyncset.done $0x0  }
0xcc: {  	[sflag:s6] =	ssyncadd.s32 $0xFFFFE000  }
0xcd: {  	s12 =	sadd.s32 s21, s3  }
0xce: {  	[hbm:s12], [sflag:s5] =	dma.local [spmem:s10], $0x2000  }
0xcf: {  	_ =	swait.ge [sflag:s5], $0x2000  }
0xd0: {  	[sflag:s5] =	ssyncset.done $0x0  }
0xd1: {  	s24 =	sor.u32 $0xCA000, s7;
	[sflag:s5] =	ssyncadd.s32 $0xFFFFE000  }
0xd2: {  	s25 =	sadd.s32 s24, s4  }
0xd3: {  	[spmem:s9], [sflag:s6] =	dma.local [hbm:s25], $0x2000  }
0xd4: {  	_ =	swait.ge [sflag:s6], $0x2000  }
0xd5: {  	[sflag:s6] =	ssyncset.done $0x0  }
0xd6: {  	[sflag:s6] =	ssyncadd.s32 $0xFFFFE000  }
0xd7: {  	s11 =	sadd.s32 s22, s3  }
0xd8: {  	[hbm:s11], [sflag:s5] =	dma.local [spmem:s1], $0x2000  }
0xd9: {  	_ =	swait.ge [sflag:s5], $0x2000  }
0xda: {  	[sflag:s5] =	ssyncset.done $0x0  }
0xdb: {  	s26 =	sor.u32 $0xCC000, s7;
	[sflag:s5] =	ssyncadd.s32 $0xFFFFE000  }
0xdc: {  	s28 =	sadd.s32 s26, s4  }
0xdd: {  	[spmem:s8], [sflag:s6] =	dma.local [hbm:s28], $0x2000  }
0xde: {  	_ =	swait.ge [sflag:s6], $0x2000  }
0xdf: {  	[sflag:s6] =	ssyncset.done $0x0  }
0xe0: {  	[sflag:s6] =	ssyncadd.s32 $0xFFFFE000  }
0xe1: {  	s12 =	sadd.s32 s24, s3  }
0xe2: {  	[hbm:s12], [sflag:s5] =	dma.local [spmem:s9], $0x2000  }
0xe3: {  	_ =	swait.ge [sflag:s5], $0x2000  }
0xe4: {  	[sflag:s5] =	ssyncset.done $0x0  }
0xe5: {  	s29 =	sor.u32 $0xCE000, s7;
	[sflag:s5] =	ssyncadd.s32 $0xFFFFE000  }
0xe6: {  	s30 =	sadd.s32 s29, s4  }
0xe7: {  	[spmem:s10], [sflag:s6] =	dma.local [hbm:s30], $0x2000  }
0xe8: {  	_ =	swait.ge [sflag:s6], $0x2000  }
0xe9: {  	[sflag:s6] =	ssyncset.done $0x0  }
0xea: {  	[sflag:s6] =	ssyncadd.s32 $0xFFFFE000  }
0xeb: {  	s11 =	sadd.s32 s26, s3  }
0xec: {  	[hbm:s11], [sflag:s5] =	dma.local [spmem:s8], $0x2000  }
0xed: {  	_ =	swait.ge [sflag:s5], $0x2000  }
0xee: {  	[sflag:s5] =	ssyncset.done $0x0  }
0xef: {  	s31 =	sor.u32 $0xD0000, s7;
	[sflag:s5] =	ssyncadd.s32 $0xFFFFE000  }
0xf0: {  	s14 =	sadd.s32 s31, s4  }
0xf1: {  	[spmem:s1], [sflag:s6] =	dma.local [hbm:s14], $0x2000  }
0xf2: {  	_ =	swait.ge [sflag:s6], $0x2000  }
0xf3: {  	[sflag:s6] =	ssyncset.done $0x0  }
0xf4: {  	[sflag:s6] =	ssyncadd.s32 $0xFFFFE000  }
0xf5: {  	s12 =	sadd.s32 s29, s3  }
0xf6: {  	[hbm:s12], [sflag:s5] =	dma.local [spmem:s10], $0x2000  }
0xf7: {  	_ =	swait.ge [sflag:s5], $0x2000  }
0xf8: {  	[sflag:s5] =	ssyncset.done $0x0  }
0xf9: {  	s15 =	sor.u32 $0xD2000, s7;
	[sflag:s5] =	ssyncadd.s32 $0xFFFFE000  }
0xfa: {  	s16 =	sadd.s32 s15, s4  }
0xfb: {  	[spmem:s9], [sflag:s6] =	dma.local [hbm:s16], $0x2000  }
0xfc: {  	_ =	swait.ge [sflag:s6], $0x2000  }
0xfd: {  	[sflag:s6] =	ssyncset.done $0x0  }
0xfe: {  	[sflag:s6] =	ssyncadd.s32 $0xFFFFE000  }
0xff: {  	s11 =	sadd.s32 s31, s3  }
0x100: {  	[hbm:s11], [sflag:s5] =	dma.local [spmem:s1], $0x2000  }
0x101: {  	_ =	swait.ge [sflag:s5], $0x2000  }
0x102: {  	[sflag:s5] =	ssyncset.done $0x0  }
0x103: {  	s17 =	sor.u32 $0xD4000, s7;
	[sflag:s5] =	ssyncadd.s32 $0xFFFFE000  }
0x104: {  	s18 =	sadd.s32 s17, s4  }
0x105: {  	[spmem:s8], [sflag:s6] =	dma.local [hbm:s18], $0x2000  }
0x106: {  	_ =	swait.ge [sflag:s6], $0x2000  }
0x107: {  	[sflag:s6] =	ssyncset.done $0x0  }
0x108: {  	[sflag:s6] =	ssyncadd.s32 $0xFFFFE000  }
0x109: {  	s12 =	sadd.s32 s15, s3  }
0x10a: {  	[hbm:s12], [sflag:s5] =	dma.local [spmem:s9], $0x2000  }
0x10b: {  	_ =	swait.ge [sflag:s5], $0x2000  }
0x10c: {  	[sflag:s5] =	ssyncset.done $0x0  }
0x10d: {  	s19 =	sor.u32 $0xD6000, s7;
	[sflag:s5] =	ssyncadd.s32 $0xFFFFE000  }
0x10e: {  	s20 =	sadd.s32 s19, s4  }
0x10f: {  	[spmem:s10], [sflag:s6] =	dma.local [hbm:s20], $0x2000  }
0x110: {  	_ =	swait.ge [sflag:s6], $0x2000  }
0x111: {  	[sflag:s6] =	ssyncset.done $0x0  }
0x112: {  	[sflag:s6] =	ssyncadd.s32 $0xFFFFE000  }
0x113: {  	s11 =	sadd.s32 s17, s3  }
0x114: {  	[hbm:s11], [sflag:s5] =	dma.local [spmem:s8], $0x2000  }
0x115: {  	_ =	swait.ge [sflag:s5], $0x2000  }
0x116: {  	[sflag:s5] =	ssyncset.done $0x0  }
0x117: {  	s21 =	sor.u32 $0xD8000, s7;
	[sflag:s5] =	ssyncadd.s32 $0xFFFFE000  }
0x118: {  	s22 =	sadd.s32 s21, s4  }
0x119: {  	[spmem:s1], [sflag:s6] =	dma.local [hbm:s22], $0x2000  }
0x11a: {  	_ =	swait.ge [sflag:s6], $0x2000  }
0x11b: {  	[sflag:s6] =	ssyncset.done $0x0  }
0x11c: {  	[sflag:s6] =	ssyncadd.s32 $0xFFFFE000  }
0x11d: {  	s12 =	sadd.s32 s19, s3  }
0x11e: {  	[hbm:s12], [sflag:s5] =	dma.local [spmem:s10], $0x2000  }
0x11f: {  	_ =	swait.ge [sflag:s5], $0x2000  }
0x120: {  	[sflag:s5] =	ssyncset.done $0x0  }
0x121: {  	s23 =	sor.u32 $0xDA000, s7;
	[sflag:s5] =	ssyncadd.s32 $0xFFFFE000  }
0x122: {  	s24 =	sadd.s32 s23, s4  }
0x123: {  	[spmem:s9], [sflag:s6] =	dma.local [hbm:s24], $0x2000  }
0x124: {  	_ =	swait.ge [sflag:s6], $0x2000  }
0x125: {  	[sflag:s6] =	ssyncset.done $0x0  }
0x126: {  	[sflag:s6] =	ssyncadd.s32 $0xFFFFE000  }
0x127: {  	s11 =	sadd.s32 s21, s3  }
0x128: {  	[hbm:s11], [sflag:s5] =	dma.local [spmem:s1], $0x2000  }
0x129: {  	_ =	swait.ge [sflag:s5], $0x2000  }
0x12a: {  	[sflag:s5] =	ssyncset.done $0x0  }
0x12b: {  	s25 =	sor.u32 $0xDC000, s7;
	[sflag:s5] =	ssyncadd.s32 $0xFFFFE000  }
0x12c: {  	s26 =	sadd.s32 s25, s4  }
0x12d: {  	[spmem:s8], [sflag:s6] =	dma.local [hbm:s26], $0x2000  }
0x12e: {  	_ =	swait.ge [sflag:s6], $0x2000  }
0x12f: {  	[sflag:s6] =	ssyncset.done $0x0  }
0x130: {  	[sflag:s6] =	ssyncadd.s32 $0xFFFFE000  }
0x131: {  	s12 =	sadd.s32 s23, s3  }
0x132: {  	[hbm:s12], [sflag:s5] =	dma.local [spmem:s9], $0x2000  }
0x133: {  	_ =	swait.ge [sflag:s5], $0x2000  }
0x134: {  	[sflag:s5] =	ssyncset.done $0x0  }
0x135: {  	s7 =	sor.u32 $0xDE000, s7;
	[sflag:s5] =	ssyncadd.s32 $0xFFFFE000  }
0x136: {  	s4 =	sadd.s32 s7, s4  }
0x137: {  	[spmem:s10], [sflag:s6] =	dma.local [hbm:s4], $0x2000  }
0x138: {  	_ =	swait.ge [sflag:s6], $0x2000  }
0x139: {  	[sflag:s6] =	ssyncset.done $0x0  }
0x13a: {  	[sflag:s6] =	ssyncadd.s32 $0xFFFFE000  }
0x13b: {  	s28 =	sadd.s32 s25, s3  }
0x13c: {  	[hbm:s28], [sflag:s5] =	dma.local [spmem:s8], $0x2000  }
0x13d: {  	_ =	swait.ge [sflag:s6], $0x2000  }
0x13e: {  	[sflag:s6] =	ssyncset.done $0x0  }
0x13f: {  	[sflag:s6] =	ssyncadd.s32 $0xFFFFE000  }
0x140: {  	s3 =	sadd.s32 s7, s3  }
0x141: {  	[hbm:s3], [sflag:s5] =	dma.local [spmem:s10], $0x2000  }
0x142: {  	_ =	swait.ge [sflag:s5], $0x2000  }
0x143: {  	[sflag:s5] =	ssyncset.done $0x0  }
0x144: {  	[sflag:s5] =	ssyncadd.s32 $0xFFFFE000;
	_ =	sdelay $0x2  }
0x145: {  	_ =	swait.ge [sflag:s5], $0x2000  }
0x146: {  	[sflag:s5] =	ssyncset.done $0x0  }
0x147: {  	[sflag:s5] =	ssyncadd.s32 $0xFFFFE000;
	_ =	sdelay $0x2  }
0x148: {  	_ =	swait.ge [sflag:s5], $0x2000  }
0x149: {  	[sflag:s5] =	ssyncset.done $0x0  }
0x14a: {  	[sflag:s5] =	ssyncadd.s32 $0xFFFFE000;
	_ =	sdelay $0x2  }
0x14b: {  	_ =	swait.ge [sflag:s5], $0x2000  }
0x14c: {  	[sflag:s5] =	ssyncset.done $0x0  }
0x14d: {  	[sflag:s5] =	ssyncadd.s32 $0xFFFFE000  }
0x14e: {  	_ =	strace $0x90000046  }
0x14f: {  	s29 =	simm.s32 $0x9;
	_ =	strace $0x80000048  }
0x150: {  	_ =	swait.ge [sflag:s29], $0x1  }
0x151: {  	[sflag:s29] =	ssyncadd.s32 $0xFFFFFFFF  }
0x152: {  	_ =	strace $0x90000048  }
0x153: {  	_ =	sfence  }
0x154: {  	s30 =	sld [smem:$0x0];
	_ =	sdelay $0x2  }
0x155: {  	s31 =	sshll.u32 s2, $0xD;
	s2 =	sshrl.u32 s2, $0x2  }
0x156: {  	s4 =	sand.u32 $0x4000, s31;
	s2 =	sadd.s32 s2, s30  }
0x157: {  	s0 =	sor.u32 s4, s0;
	s2 =	sshll.u32 s2, $0x11  }
0x158: {  	s0 =	sor.u32 s2, s0  }
0x159: {  	s0 =	sadd.s32 $0x8F2B, s0  }
0x15a: {  	[sflag:s0] =	ssyncadd.remote.s32 $0x1  }
0x15b: {  	_ =	sfence.sel $0xFFFF  }
0x15c: {  	[dreg:$0x0] =	wrdreg $0xFFFFFFFF;
	(pc) =	sbr.abs _section_cstart, $3  }
0x15d: {  	[dreg:$0x1] =	wrdreg $0xFFFFFFFF  }
0x15e: {  	_ =	task.clear_ibuf [dreg:s1], $0x2FFFF;
	_ =	strace $0x9FFFFFFF  }
0x15f: {  	(tm) =	ssettm $0x7FFFFFFF  }
tec
execute0_lowered:
.L_overlay_start_1:
0x0: {  	(tag) =	ssettag $0x1  }
0x1: {  	s1 =	srdreg.scid;
	s0 =	stileid.u32  }
0x2: {  	s26 =	rddreg [dreg:$0x0];
	s1 =	sand.u32 $0x1, s1;
	s2 =	sshll.u32 s0, $0x1  }
0x3: {  	s31 =	rddreg [dreg:$0x1];
	s6 =	sor.u32 s1, s2  }
0x4: {  	[dreg:$0x8] =	wrdreg s1;
	s2 =	simm.s32 $0x0;
	s8 =	smul.u32 $0x6000, s6  }
0x5: {  	[smem:$0x7FF] =	sst s2  }
0x6: {  	_ =	strace $0x80000047;
	s3 =	sadd.s32 s26, s8;
	s11 =	sor.u32 $0x800, s8  }
0x7: {  	s14 =	sor.u32 $0x1000, s8;
	[dreg:$0x3] =	wrdreg s3;
	s21 =	sadd.s32 s26, s11  }
0x8: {  	s22 =	sadd.s32 s26, s14;
	[dreg:$0x4] =	wrdreg s21  }
0x9: {  	s17 =	sor.u32 $0x1800, s8;
	[dreg:$0x5] =	wrdreg s22  }
0xa: {  	s23 =	sadd.s32 s26, s17;
	s4 =	rddreg [dreg:$0x3]  }
0xb: {  	s3 =	simm.s32 $0x4000;
	[dreg:$0x6] =	wrdreg s23  }
0xc: {  	[tilespmem:s3], [sflag:$0x1] =	stream.linear.gather [hbm4b:s4+s2], $0x4000, $0x38;
	[tilespmem:$0x1C000] =	vst v63  }
0xd: {  	s5 =	rddreg [dreg:$0x4];
	s4 =	simm.s32 $0x8000  }
0xe: {  	[tilespmem:s4], [sflag:$0x1] =	stream.linear.gather [hbm4b:s5+s2], $0x4000, $0x38;
	[tilespmem:$0x1C000] =	vst v63  }
0xf: {  	s10 =	smul.u32 $0x30000, s6;
	s7 =	rddreg [dreg:$0x5];
	s5 =	simm.s32 $0xC000  }
0x10: {  	[tilespmem:s5], [sflag:$0x1] =	stream.linear.gather [hbm4b:s7+s2], $0x4000, $0x38;
	[tilespmem:$0x1C000] =	vst v63  }
0x11: {  	s6 =	simm.s32 $0x10000;
	s9 =	rddreg [dreg:$0x6];
	s7 =	simm.s32 $0x1  }
0x12: {  	[tilespmem:s6], [sflag:$0x1] =	stream.linear.gather [hbm4b:s9+s2], $0x4000, $0x38;
	[tilespmem:$0x1C000] =	vst v63  }
0x13: {  	_ =	swait.ge [sflag:s7], $0x4000  }
0x14: {  	s28 =	sshrl.u32 s10, $0x3;
	[sflag:s7] =	ssyncset.done $0x0  }
0x15: {  	s24 =	sadd.s32 s31, s8;
	s19 =	sadd.s32 $0x2000, s28;
	[sflag:s7] =	ssyncadd.s32 $0xFFFFC000  }
0x16: {  	[hbm4b:s24+s2] =	stream.linear.scatter [tilespmem:s3], [sflag:$0x2], $0x4000, $0x38;
	[tilespmem:$0x1C000] =	vst v63  }
0x17: {  	s10 =	simm.s32 $0x14000;
	s25 =	sadd.s32 s26, s19;
	[dreg:$0x7] =	wrdreg s24  }
0x18: {  	[tilespmem:s10], [sflag:$0x1] =	stream.linear.gather [hbm4b:s25+s2], $0x4000, $0x38;
	[tilespmem:$0x1C000] =	vst v63  }
0x19: {  	_ =	swait.ge [sflag:s7], $0x4000  }
0x1a: {  	[sflag:s7] =	ssyncset.done $0x0  }
0x1b: {  	s11 =	sadd.s32 s31, s11;
	s21 =	sadd.s32 $0x2800, s28;
	[sflag:s7] =	ssyncadd.s32 $0xFFFFC000  }
0x1c: {  	[hbm4b:s11+s2] =	stream.linear.scatter [tilespmem:s4], [sflag:$0x2], $0x4000, $0x38;
	[tilespmem:$0x1C000] =	vst v63  }
0x1d: {  	s13 =	simm.s32 $0x18000;
	s12 =	sadd.s32 s26, s21  }
0x1e: {  	[tilespmem:s13], [sflag:$0x1] =	stream.linear.gather [hbm4b:s12+s2], $0x4000, $0x38;
	[tilespmem:$0x1C000] =	vst v63  }
0x1f: {  	_ =	swait.ge [sflag:s7], $0x4000  }
0x20: {  	[sflag:s7] =	ssyncset.done $0x0  }
0x21: {  	s15 =	sadd.s32 s31, s14;
	s14 =	simm.s32 $0x2;
	[sflag:s7] =	ssyncadd.s32 $0xFFFFC000  }
0x22: {  	[hbm4b:s15+s2] =	stream.linear.scatter [tilespmem:s5], [sflag:$0x2], $0x4000, $0x38;
	[tilespmem:$0x1C000] =	vst v63  }
0x23: {  	_ =	swait.ge [sflag:s14], $0x4000  }
0x24: {  	s23 =	sadd.s32 $0x3000, s28;
	[sflag:s14] =	ssyncset.done $0x0  }
0x25: {  	s16 =	sadd.s32 s26, s23;
	[sflag:s14] =	ssyncadd.s32 $0xFFFFC000  }
0x26: {  	[tilespmem:s3], [sflag:$0x1] =	stream.linear.gather [hbm4b:s16+s2], $0x4000, $0x38;
	[tilespmem:$0x1C000] =	vst v63  }
0x27: {  	_ =	swait.ge [sflag:s7], $0x4000  }
0x28: {  	[sflag:s7] =	ssyncset.done $0x0  }
0x29: {  	s17 =	sadd.s32 s31, s17;
	[sflag:s7] =	ssyncadd.s32 $0xFFFFC000  }
0x2a: {  	[hbm4b:s17+s2] =	stream.linear.scatter [tilespmem:s6], [sflag:$0x2], $0x4000, $0x38;
	[tilespmem:$0x1C000] =	vst v63  }
0x2b: {  	_ =	swait.ge [sflag:s14], $0x4000  }
0x2c: {  	s9 =	smov.u32 s25;
	s25 =	sadd.s32 $0x3800, s28;
	[sflag:s14] =	ssyncset.done $0x0  }
0x2d: {  	s18 =	sadd.s32 s26, s25;
	[sflag:s14] =	ssyncadd.s32 $0xFFFFC000  }
0x2e: {  	[tilespmem:s4], [sflag:$0x1] =	stream.linear.gather [hbm4b:s18+s2], $0x4000, $0x38;
	[tilespmem:$0x1C000] =	vst v63  }
0x2f: {  	_ =	swait.ge [sflag:s7], $0x4000  }
0x30: {  	[sflag:s7] =	ssyncset.done $0x0  }
0x31: {  	s19 =	sadd.s32 s31, s19;
	[sflag:s7] =	ssyncadd.s32 $0xFFFFC000  }
0x32: {  	[hbm4b:s19+s2] =	stream.linear.scatter [tilespmem:s10], [sflag:$0x2], $0x4000, $0x38;
	[tilespmem:$0x1C000] =	vst v63  }
0x33: {  	_ =	swait.ge [sflag:s14], $0x4000  }
0x34: {  	s29 =	sadd.s32 $0x4000, s28;
	[sflag:s14] =	ssyncset.done $0x0  }
0x35: {  	s20 =	sadd.s32 s26, s29;
	[sflag:s14] =	ssyncadd.s32 $0xFFFFC000  }
0x36: {  	[tilespmem:s5], [sflag:$0x1] =	stream.linear.gather [hbm4b:s20+s2], $0x4000, $0x38;
	[tilespmem:$0x1C000] =	vst v63  }
0x37: {  	_ =	swait.ge [sflag:s7], $0x4000  }
0x38: {  	[sflag:s7] =	ssyncset.done $0x0  }
0x39: {  	s21 =	sadd.s32 s31, s21;
	[sflag:s7] =	ssyncadd.s32 $0xFFFFC000  }
0x3a: {  	[hbm4b:s21+s2] =	stream.linear.scatter [tilespmem:s13], [sflag:$0x2], $0x4000, $0x38;
	[tilespmem:$0x1C000] =	vst v63  }
0x3b: {  	_ =	swait.ge [sflag:s14], $0x4000  }
0x3c: {  	s30 =	sadd.s32 $0x4800, s28;
	[sflag:s14] =	ssyncset.done $0x0  }
0x3d: {  	s22 =	sadd.s32 s26, s30;
	[sflag:s14] =	ssyncadd.s32 $0xFFFFC000  }
0x3e: {  	[tilespmem:s6], [sflag:$0x1] =	stream.linear.gather [hbm4b:s22+s2], $0x4000, $0x38;
	[tilespmem:$0x1C000] =	vst v63  }
0x3f: {  	_ =	swait.ge [sflag:s7], $0x4000  }
0x40: {  	[sflag:s7] =	ssyncset.done $0x0  }
0x41: {  	s23 =	sadd.s32 s31, s23;
	[sflag:s7] =	ssyncadd.s32 $0xFFFFC000  }
0x42: {  	[hbm4b:s23+s2] =	stream.linear.scatter [tilespmem:s3], [sflag:$0x2], $0x4000, $0x38;
	[tilespmem:$0x1C000] =	vst v63  }
0x43: {  	_ =	swait.ge [sflag:s14], $0x4000  }
0x44: {  	s0 =	sadd.s32 $0x5000, s28;
	[sflag:s14] =	ssyncset.done $0x0  }
0x45: {  	s24 =	sadd.s32 s26, s0;
	[sflag:s14] =	ssyncadd.s32 $0xFFFFC000  }
0x46: {  	[tilespmem:s10], [sflag:$0x1] =	stream.linear.gather [hbm4b:s24+s2], $0x4000, $0x38;
	[tilespmem:$0x1C000] =	vst v63  }
0x47: {  	_ =	swait.ge [sflag:s7], $0x4000  }
0x48: {  	[sflag:s7] =	ssyncset.done $0x0  }
0x49: {  	s25 =	sadd.s32 s31, s25;
	[sflag:s7] =	ssyncadd.s32 $0xFFFFC000  }
0x4a: {  	[hbm4b:s25+s2] =	stream.linear.scatter [tilespmem:s4], [sflag:$0x2], $0x4000, $0x38;
	[tilespmem:$0x1C000] =	vst v63  }
0x4b: {  	_ =	swait.ge [sflag:s14], $0x4000  }
0x4c: {  	s8 =	sadd.s32 $0x5800, s28;
	[sflag:s14] =	ssyncset.done $0x0  }
0x4d: {  	s26 =	sadd.s32 s26, s8;
	[sflag:s14] =	ssyncadd.s32 $0xFFFFC000  }
0x4e: {  	[tilespmem:s13], [sflag:$0x1] =	stream.linear.gather [hbm4b:s26+s2], $0x4000, $0x38;
	[tilespmem:$0x1C000] =	vst v63  }
0x4f: {  	_ =	swait.ge [sflag:s7], $0x4000  }
0x50: {  	[sflag:s7] =	ssyncset.done $0x0  }
0x51: {  	s28 =	sadd.s32 s31, s29;
	[sflag:s7] =	ssyncadd.s32 $0xFFFFC000  }
0x52: {  	[hbm4b:s28+s2] =	stream.linear.scatter [tilespmem:s5], [sflag:$0x2], $0x4000, $0x38;
	[tilespmem:$0x1C000] =	vst v63  }
0x53: {  	_ =	swait.ge [sflag:s7], $0x4000  }
0x54: {  	[sflag:s7] =	ssyncset.done $0x0  }
0x55: {  	s29 =	sadd.s32 s31, s30;
	[sflag:s7] =	ssyncadd.s32 $0xFFFFC000  }
0x56: {  	[hbm4b:s29+s2] =	stream.linear.scatter [tilespmem:s6], [sflag:$0x2], $0x4000, $0x38;
	[tilespmem:$0x1C000] =	vst v63  }
0x57: {  	_ =	swait.ge [sflag:s7], $0x4000  }
0x58: {  	[sflag:s7] =	ssyncset.done $0x0  }
0x59: {  	s30 =	sadd.s32 s31, s0;
	[sflag:s7] =	ssyncadd.s32 $0xFFFFC000  }
0x5a: {  	[hbm4b:s30+s2] =	stream.linear.scatter [tilespmem:s10], [sflag:$0x2], $0x4000, $0x38;
	[tilespmem:$0x1C000] =	vst v63  }
0x5b: {  	_ =	swait.ge [sflag:s7], $0x4000  }
0x5c: {  	[sflag:s7] =	ssyncset.done $0x0  }
0x5d: {  	s31 =	sadd.s32 s31, s8;
	[sflag:s7] =	ssyncadd.s32 $0xFFFFC000  }
0x5e: {  	[hbm4b:s31+s2] =	stream.linear.scatter [tilespmem:s13], [sflag:$0x2], $0x4000, $0x38;
	[tilespmem:$0x1C000] =	vst v63  }
0x5f: {  	_ =	swait.ge [sflag:s14], $0x4000  }
0x60: {  	[sflag:s14] =	ssyncset.done $0x0  }
0x61: {  	[sflag:s14] =	ssyncadd.s32 $0xFFFFC000  }
0x62: {  	_ =	swait.ge [sflag:s14], $0x4000  }
0x63: {  	[sflag:s14] =	ssyncset.done $0x0  }
0x64: {  	[sflag:s14] =	ssyncadd.s32 $0xFFFFC000  }
0x65: {  	_ =	swait.ge [sflag:s14], $0x4000  }
0x66: {  	[sflag:s14] =	ssyncset.done $0x0  }
0x67: {  	[sflag:s14] =	ssyncadd.s32 $0xFFFFC000  }
0x68: {  	_ =	swait.ge [sflag:s14], $0x4000  }
0x69: {  	s1 =	rddreg [dreg:$0x8]  }
0x6a: {  	s0 =	ssub.s32 $0x2, s1  }
0x6b: {  	s8 =	sshrl.u32 s0, $0x1  }
0x6c: {  	s0 =	ssub.s32 s0, s8  }
0x6d: {  	s0 =	smax.u32 s0, $0x1  }
0x6e: {  	[sflag:s14] =	ssyncset.done $0x0;
	p0 =	sne.s32 s0, $0x1  }
.Ltmp0:
0x6f: {  	[sflag:s14] =	ssyncadd.s32 $0xFFFFC000;
	(pc) =	sbr.rel @!p0 .LBB2_2-.Ltmp0, $4  }
0x70: {  	_ =	swait.ge [sflag:s14], $0x4000  }
0x71: {  	[sflag:s14] =	ssyncset.done $0x0  }
0x72: {  	[sflag:s14] =	ssyncadd.s32 $0xFFFFC000  }
0x73: {  	s1 =	sadd.s32 $0xFFFFFFFF, s0;
	_ =	swait.ge [sflag:s14], $0x4000  }
.LBB2_1:
0x74: {  	[sflag:s14] =	ssyncset.done $0x0  }
0x75: {  	s0 =	rddreg [dreg:$0x3];
	[sflag:s14] =	ssyncadd.s32 $0xFFFFC000  }
0x76: {  	[tilespmem:s3], [sflag:$0x1] =	stream.linear.gather [hbm4b:s0+s2], $0x4000, $0x38;
	[tilespmem:$0x1C000] =	vst v63  }
0x77: {  	s8 =	rddreg [dreg:$0x4]  }
0x78: {  	[tilespmem:s4], [sflag:$0x1] =	stream.linear.gather [hbm4b:s8+s2], $0x4000, $0x38;
	[tilespmem:$0x1C000] =	vst v63  }
0x79: {  	s0 =	rddreg [dreg:$0x5]  }
0x7a: {  	[tilespmem:s5], [sflag:$0x1] =	stream.linear.gather [hbm4b:s0+s2], $0x4000, $0x38;
	[tilespmem:$0x1C000] =	vst v63  }
0x7b: {  	s8 =	rddreg [dreg:$0x6]  }
0x7c: {  	[tilespmem:s6], [sflag:$0x1] =	stream.linear.gather [hbm4b:s8+s2], $0x4000, $0x38;
	[tilespmem:$0x1C000] =	vst v63  }
0x7d: {  	_ =	swait.ge [sflag:s7], $0x4000  }
0x7e: {  	[sflag:s7] =	ssyncset.done $0x0  }
0x7f: {  	s8 =	rddreg [dreg:$0x7];
	[sflag:s7] =	ssyncadd.s32 $0xFFFFC000  }
0x80: {  	[hbm4b:s8+s2] =	stream.linear.scatter [tilespmem:s3], [sflag:$0x2], $0x4000, $0x38;
	[tilespmem:$0x1C000] =	vst v63  }
0x81: {  	_ = 	snop  }
0x82: {  	[tilespmem:s10], [sflag:$0x1] =	stream.linear.gather [hbm4b:s9+s2], $0x4000, $0x38;
	[tilespmem:$0x1C000] =	vst v63  }
0x83: {  	_ =	swait.ge [sflag:s7], $0x4000  }
0x84: {  	[sflag:s7] =	ssyncset.done $0x0  }
0x85: {  	[sflag:s7] =	ssyncadd.s32 $0xFFFFC000  }
0x86: {  	[hbm4b:s11+s2] =	stream.linear.scatter [tilespmem:s4], [sflag:$0x2], $0x4000, $0x38;
	[tilespmem:$0x1C000] =	vst v63  }
0x87: {  	_ = 	snop  }
0x88: {  	[tilespmem:s13], [sflag:$0x1] =	stream.linear.gather [hbm4b:s12+s2], $0x4000, $0x38;
	[tilespmem:$0x1C000] =	vst v63  }
0x89: {  	_ =	swait.ge [sflag:s7], $0x4000  }
0x8a: {  	[sflag:s7] =	ssyncset.done $0x0  }
0x8b: {  	[sflag:s7] =	ssyncadd.s32 $0xFFFFC000  }
0x8c: {  	[hbm4b:s15+s2] =	stream.linear.scatter [tilespmem:s5], [sflag:$0x2], $0x4000, $0x38;
	[tilespmem:$0x1C000] =	vst v63  }
0x8d: {  	_ =	swait.ge [sflag:s14], $0x4000  }
0x8e: {  	[sflag:s14] =	ssyncset.done $0x0  }
0x8f: {  	[sflag:s14] =	ssyncadd.s32 $0xFFFFC000  }
0x90: {  	[tilespmem:s3], [sflag:$0x1] =	stream.linear.gather [hbm4b:s16+s2], $0x4000, $0x38;
	[tilespmem:$0x1C000] =	vst v63  }
0x91: {  	_ =	swait.ge [sflag:s7], $0x4000  }
0x92: {  	[sflag:s7] =	ssyncset.done $0x0  }
0x93: {  	[sflag:s7] =	ssyncadd.s32 $0xFFFFC000  }
0x94: {  	[hbm4b:s17+s2] =	stream.linear.scatter [tilespmem:s6], [sflag:$0x2], $0x4000, $0x38;
	[tilespmem:$0x1C000] =	vst v63  }
0x95: {  	_ =	swait.ge [sflag:s14], $0x4000  }
0x96: {  	[sflag:s14] =	ssyncset.done $0x0  }
0x97: {  	[sflag:s14] =	ssyncadd.s32 $0xFFFFC000  }
0x98: {  	[tilespmem:s4], [sflag:$0x1] =	stream.linear.gather [hbm4b:s18+s2], $0x4000, $0x38;
	[tilespmem:$0x1C000] =	vst v63  }
0x99: {  	_ =	swait.ge [sflag:s7], $0x4000  }
0x9a: {  	[sflag:s7] =	ssyncset.done $0x0  }
0x9b: {  	[sflag:s7] =	ssyncadd.s32 $0xFFFFC000  }
0x9c: {  	[hbm4b:s19+s2] =	stream.linear.scatter [tilespmem:s10], [sflag:$0x2], $0x4000, $0x38;
	[tilespmem:$0x1C000] =	vst v63  }
0x9d: {  	_ =	swait.ge [sflag:s14], $0x4000  }
0x9e: {  	[sflag:s14] =	ssyncset.done $0x0  }
0x9f: {  	[sflag:s14] =	ssyncadd.s32 $0xFFFFC000  }
0xa0: {  	[tilespmem:s5], [sflag:$0x1] =	stream.linear.gather [hbm4b:s20+s2], $0x4000, $0x38;
	[tilespmem:$0x1C000] =	vst v63  }
0xa1: {  	_ =	swait.ge [sflag:s7], $0x4000  }
0xa2: {  	[sflag:s7] =	ssyncset.done $0x0  }
0xa3: {  	[sflag:s7] =	ssyncadd.s32 $0xFFFFC000  }
0xa4: {  	[hbm4b:s21+s2] =	stream.linear.scatter [tilespmem:s13], [sflag:$0x2], $0x4000, $0x38;
	[tilespmem:$0x1C000] =	vst v63  }
0xa5: {  	_ =	swait.ge [sflag:s14], $0x4000  }
0xa6: {  	[sflag:s14] =	ssyncset.done $0x0  }
0xa7: {  	[sflag:s14] =	ssyncadd.s32 $0xFFFFC000  }
0xa8: {  	[tilespmem:s6], [sflag:$0x1] =	stream.linear.gather [hbm4b:s22+s2], $0x4000, $0x38;
	[tilespmem:$0x1C000] =	vst v63  }
0xa9: {  	_ =	swait.ge [sflag:s7], $0x4000  }
0xaa: {  	[sflag:s7] =	ssyncset.done $0x0  }
0xab: {  	[sflag:s7] =	ssyncadd.s32 $0xFFFFC000  }
0xac: {  	[hbm4b:s23+s2] =	stream.linear.scatter [tilespmem:s3], [sflag:$0x2], $0x4000, $0x38;
	[tilespmem:$0x1C000] =	vst v63  }
0xad: {  	_ =	swait.ge [sflag:s14], $0x4000  }
0xae: {  	[sflag:s14] =	ssyncset.done $0x0  }
0xaf: {  	[sflag:s14] =	ssyncadd.s32 $0xFFFFC000  }
0xb0: {  	[tilespmem:s10], [sflag:$0x1] =	stream.linear.gather [hbm4b:s24+s2], $0x4000, $0x38;
	[tilespmem:$0x1C000] =	vst v63  }
0xb1: {  	_ =	swait.ge [sflag:s7], $0x4000  }
0xb2: {  	[sflag:s7] =	ssyncset.done $0x0  }
0xb3: {  	[sflag:s7] =	ssyncadd.s32 $0xFFFFC000  }
0xb4: {  	[hbm4b:s25+s2] =	stream.linear.scatter [tilespmem:s4], [sflag:$0x2], $0x4000, $0x38;
	[tilespmem:$0x1C000] =	vst v63  }
0xb5: {  	_ =	swait.ge [sflag:s14], $0x4000  }
0xb6: {  	[sflag:s14] =	ssyncset.done $0x0  }
0xb7: {  	[sflag:s14] =	ssyncadd.s32 $0xFFFFC000  }
0xb8: {  	[tilespmem:s13], [sflag:$0x1] =	stream.linear.gather [hbm4b:s26+s2], $0x4000, $0x38;
	[tilespmem:$0x1C000] =	vst v63  }
0xb9: {  	_ =	swait.ge [sflag:s7], $0x4000  }
0xba: {  	[sflag:s7] =	ssyncset.done $0x0  }
0xbb: {  	[sflag:s7] =	ssyncadd.s32 $0xFFFFC000  }
0xbc: {  	[hbm4b:s28+s2] =	stream.linear.scatter [tilespmem:s5], [sflag:$0x2], $0x4000, $0x38;
	[tilespmem:$0x1C000] =	vst v63  }
0xbd: {  	_ =	swait.ge [sflag:s7], $0x4000  }
0xbe: {  	[sflag:s7] =	ssyncset.done $0x0  }
0xbf: {  	[sflag:s7] =	ssyncadd.s32 $0xFFFFC000  }
0xc0: {  	[hbm4b:s29+s2] =	stream.linear.scatter [tilespmem:s6], [sflag:$0x2], $0x4000, $0x38;
	[tilespmem:$0x1C000] =	vst v63  }
0xc1: {  	_ =	swait.ge [sflag:s7], $0x4000  }
0xc2: {  	[sflag:s7] =	ssyncset.done $0x0  }
0xc3: {  	[sflag:s7] =	ssyncadd.s32 $0xFFFFC000  }
0xc4: {  	[hbm4b:s30+s2] =	stream.linear.scatter [tilespmem:s10], [sflag:$0x2], $0x4000, $0x38;
	[tilespmem:$0x1C000] =	vst v63  }
0xc5: {  	_ =	swait.ge [sflag:s7], $0x4000  }
0xc6: {  	[sflag:s7] =	ssyncset.done $0x0  }
0xc7: {  	[sflag:s7] =	ssyncadd.s32 $0xFFFFC000  }
0xc8: {  	[hbm4b:s31+s2] =	stream.linear.scatter [tilespmem:s13], [sflag:$0x2], $0x4000, $0x38;
	[tilespmem:$0x1C000] =	vst v63  }
0xc9: {  	_ =	swait.ge [sflag:s14], $0x4000  }
0xca: {  	[sflag:s14] =	ssyncset.done $0x0  }
0xcb: {  	[sflag:s14] =	ssyncadd.s32 $0xFFFFC000  }
0xcc: {  	_ =	swait.ge [sflag:s14], $0x4000  }
0xcd: {  	[sflag:s14] =	ssyncset.done $0x0  }
0xce: {  	[sflag:s14] =	ssyncadd.s32 $0xFFFFC000  }
0xcf: {  	_ =	swait.ge [sflag:s14], $0x4000  }
0xd0: {  	[sflag:s14] =	ssyncset.done $0x0  }
0xd1: {  	[sflag:s14] =	ssyncadd.s32 $0xFFFFC000  }
0xd2: {  	_ =	swait.ge [sflag:s14], $0x4000  }
0xd3: {  	p0 =	sne.s32 s1, $0x1;
	[sflag:s14] =	ssyncset.done $0x0  }
.Ltmp1:
0xd4: {  	[sflag:s14] =	ssyncadd.s32 $0xFFFFC000;
	(pc) =	sbr.rel @p0 .LBB2_1-.Ltmp1, $4  }
0xd5: {  	_ =	swait.ge [sflag:s14], $0x4000  }
0xd6: {  	[sflag:s14] =	ssyncset.done $0x0  }
0xd7: {  	[sflag:s14] =	ssyncadd.s32 $0xFFFFC000  }
0xd8: {  	s1 =	sadd.s32 $0xFFFFFFFF, s1;
	_ =	swait.ge [sflag:s14], $0x4000  }
.LBB2_2:
0xd9: {  	[sflag:s14] =	ssyncset.done $0x0  }
0xda: {  	[sflag:s14] =	ssyncadd.s32 $0xFFFFC000  }
0xdb: {  	_ =	sfence.sel $0x180000  }
0xdc: {  	[bflag:$0x0] =	sbarrier.arrive $0xFFFF  }
0xdd: {  	_ =	strace $0x90000047  }
0xde: {  	s0 =	stileid.u32;
	[bflag:$0x2] =	sbarrier.arrive $0xFFFF  }
0xdf: {  	p0 =	sne.s32 s0, $0x0;
	s0 =	rddreg [dreg:$0x2]  }
0xe0: {  	s0 =	sadd.s32 @!p0 $0x100000, s0  }
0xe1: {  	[sflag:s0] =	ssyncadd.tile.s32 @!p0 $0x1;
	_ =	shalt  }
.Lfunc_end2:
_tile_overlayer_lowered:
.L_overlay_start_2:
0xe2: {  	(tag) =	ssettag $0x2  }
0xe3: {  	s0 =	rddreg [dreg:$0x0];
	s2 =	stileid.u32  }
0xe4: {  	s1 =	rddreg [dreg:$0x1];
	p0 =	sne.s32 s2, $0x0  }
0xe5: {  	s3 =	rddreg [dreg:$0x2];
	[bflag:$0x3] =	sbarrier.arrive $0xFFFF;
	s2 =	simm.s32 @!p0 $0x1C01  }
0xe6: {  	[timem:s3], [sflag:s2] =	dma.local @!p0 [hbm:s0], s1  }
0xe7: {  	s0 =	simm.s32 @!p0 $0x1  }
0xe8: {  	_ =	swait.ge @!p0 [sflag:s0], s1  }
0xe9: {  	s1 =	ssub.s32 @!p0 $0x0, s1;
	[sflag:s0] =	ssyncset.done @!p0 $0x0  }
0xea: {  	[sflag:s0] =	ssyncadd.s32 @!p0 s1  }
0xeb: {  	[bflag:$0x3] =	sbarrier.arrive $0xFFFF  }
0xec: {  	_ =	shalt  }

</sc_bundles>
